<compile_context>
chip_gen: v7x
topology: tpu7x:2x2x1
jax: 0.10.2.dev20260603
libtpu: 0.0.44.dev20260713+nightly
codegen_flags: <defaults>
</compile_context>

<pallas_src>
import functools

import jax
import jax.numpy as jnp
from jax import lax
from jax.experimental import pallas as pl
from jax.experimental.pallas import tpu as pltpu
from jax.experimental.pallas import tpu_sc as plsc

_THRESHOLDS = (1, 2, 3, 4, 5, 6, 7, 8, 12, 16, 23, 32, 46, 64, 91)

_N_HEADS = 16
_Q = 2048
_K = 2048
_DV = 4096
_DA = 3968
_N_SHIFTS = 128
_HPC = _N_HEADS // 2
_NBUF = 4


def _diag_body(delta_ref, emb_ref, out_ref):
    dd = delta_ref[0]
    xg = lax.broadcasted_iota(jnp.int32, (32, _DV), 1)
    bb = lax.broadcasted_iota(jnp.int32, (32, _DV), 0)
    rp = xg - (_Q - 1) + dd
    a = jnp.abs(rp)
    g = jnp.zeros((32, _DV), jnp.int32)
    for t in _THRESHOLDS:
        g = g + (a >= t).astype(jnp.int32)
    bucket = jnp.where(rp > 0, 16, 0) + g
    onehot = (bucket == bb).astype(jnp.float32)
    hh = pl.program_id(0)
    row = lax.dot_general(
        emb_ref[pl.ds(hh, 1), :], onehot,
        dimension_numbers=(((1,), (0,)), ((), ())),
        preferred_element_type=jnp.float32,
        precision=lax.Precision.HIGHEST,
    )
    for s in range(_N_SHIFTS):
        out_ref[0, s, :] = row[0, 127 - s : 127 - s + _DA]


def _build_shifts(delta, emb):
    return pl.pallas_call(
        _diag_body,
        grid=(_N_HEADS,),
        out_shape=jax.ShapeDtypeStruct(
            (_N_HEADS, _N_SHIFTS, _DA), jnp.float32
        ),
        in_specs=[
            pl.BlockSpec(memory_space=pltpu.SMEM),
            pl.BlockSpec((16, 32), lambda h: (0, 0)),
        ],
        out_specs=pl.BlockSpec((1, _N_SHIFTS, _DA), lambda h: (h, 0, 0)),
    )(delta, emb)


def _materialize_body(shifts_hbm, out_hbm, *refs):
    spms = refs[:_NBUF]
    sems = refs[_NBUF:2 * _NBUF]
    sem_w = refs[2 * _NBUF]
    c = lax.axis_index("c")
    sid = lax.axis_index("s")
    h0 = c * _HPC
    start = pl.multiple_of((_Q - 128) - 128 * sid, 128)
    row0 = pl.multiple_of(128 * sid, 8)

    def stage(idx):
        return pltpu.make_async_copy(
            shifts_hbm.at[h0 + idx], spms[idx % _NBUF], sems[idx % _NBUF]
        )

    def write(idx):
        return pltpu.make_async_copy(
            spms[idx % _NBUF].at[:, pl.ds(start, _K)],
            out_hbm.at[h0 + idx, pl.ds(row0, 128), :],
            sem_w,
        )

    @pl.when(sid == 0)
    def _prologue():
        stage(0).start()
        stage(1).start()
        stage(0).wait()

    for idx in range(_HPC):
        if idx >= _NBUF - 2:
            write(idx - _NBUF + 2).wait()
        plsc.subcore_barrier()
        write(idx).start()

        @pl.when(sid == 0)
        def _stager(idx=idx):
            if idx + 2 < _HPC:
                stage(idx + 2).start()
            if idx + 1 < _HPC:
                stage(idx + 1).wait()

    for idx in range(_HPC - _NBUF + 2, _HPC):
        write(idx).wait()


@functools.cache
def _make_materialize():
    mesh = plsc.VectorSubcoreMesh(core_axis_name="c", subcore_axis_name="s")
    return pl.kernel(
        _materialize_body,
        mesh=mesh,
        out_type=jax.ShapeDtypeStruct((_N_HEADS, _Q, _K), jnp.float32),
        scratch_types=(
            [pltpu.VMEM_SHARED((_N_SHIFTS, _DA), jnp.float32)] * _NBUF
            + [pltpu.SemaphoreType.DMA] * (_NBUF + 1)
        ),
    )


def kernel(query_length, key_length, offset, embeddings):
    del offset
    delta = (
        jnp.asarray(key_length, jnp.int32) - jnp.asarray(query_length, jnp.int32)
    ).reshape(1)
    shifts = _build_shifts(delta, embeddings.T)
    return _make_materialize()(shifts)

# --- scband reference (transcript-rebuilt; emitter-appended) ---
"""Pipeline reference for scband-relative-position-bias-34643206209938 (READ-ONLY COPY).

The authoritative reference and input builder live on the scoring server;
editing this copy changes nothing except your own understanding.
"""

import jax, jax.numpy as jnp
import numpy as np

NUM_BUCKETS = 32
MAX_DISTANCE = 128
N_HEADS = 16
BIDIRECTIONAL = True


def _relative_position_bucket(relative_position, bidirectional=True, num_buckets=32, max_distance=128):
    relative_buckets = jnp.zeros_like(relative_position)
    if bidirectional:
        num_buckets = num_buckets // 2
        relative_buckets = relative_buckets + (relative_position > 0).astype(relative_position.dtype) * num_buckets
        relative_position = jnp.abs(relative_position)
    else:
        relative_position = -jnp.minimum(relative_position, jnp.zeros_like(relative_position))
    max_exact = num_buckets // 2
    is_small = relative_position < max_exact
    scale = (num_buckets - max_exact) / np.log(max_distance / max_exact)
    relative_position_if_large = max_exact + (jnp.log(relative_position.astype(jnp.float32) / max_exact) * scale).astype(relative_position.dtype)
    relative_position_if_large = jnp.minimum(relative_position_if_large, jnp.full_like(relative_position_if_large, num_buckets - 1))
    relative_buckets = relative_buckets + jnp.where(is_small, relative_position, relative_position_if_large)
    return relative_buckets.astype(jnp.int32)


def setup_inputs(seed: int = 0) -> dict:
    key = jax.random.key(seed)
    embeddings = jax.random.normal(key, (NUM_BUCKETS, N_HEADS), dtype=jnp.float32) * 0.02
    return {
        "query_length": 2048,
        "key_length": 2048,
        "offset": 0,
        "embeddings": embeddings,
    }


def reference(query_length, key_length, offset, embeddings):
    offset_i = jnp.asarray(offset, jnp.int32)
    q_residual = jnp.asarray(query_length, jnp.int32) - (offset_i + 2048)
    k_residual = jnp.asarray(key_length, jnp.int32) - 2048
    context_position = (offset_i + jnp.arange(2048, dtype=jnp.int32) + q_residual)[:, None]
    memory_position = (jnp.arange(2048, dtype=jnp.int32) + k_residual)[None, :]
    relative_position = memory_position - context_position  # [q_len, k_len]
    relative_position_bucket = _relative_position_bucket(
        relative_position,
        bidirectional=BIDIRECTIONAL,
        num_buckets=NUM_BUCKETS,
        max_distance=MAX_DISTANCE,
    )
    values = jnp.take(embeddings, relative_position_bucket, axis=0)  # [q_len, k_len, n_heads]
    return jnp.transpose(values, (2, 0, 1))  # [n_heads, q_len, k_len]

if __name__ == "__main__":
    import jax
    _d = setup_inputs()
    print(jax.jit(kernel)(*tuple(_d.values())))

</pallas_src>

<mosaic_0001>
#map = affine_map<(d0, d1) -> (0, 0, 0)>
module attributes {stable_mosaic.version = 14 : i64} {
  func.func @_materialize_body(%arg0: i32, %arg1: i32, %arg2: memref<16x128x3968xf32, #tpu.memory_space<hbm>>, %arg3: memref<16x2048x2048xf32, #tpu.memory_space<hbm>>, %arg4: memref<128x3968xf32, #tpu.memory_space<vmem_shared>>, %arg5: memref<128x3968xf32, #tpu.memory_space<vmem_shared>>, %arg6: memref<128x3968xf32, #tpu.memory_space<vmem_shared>>, %arg7: memref<128x3968xf32, #tpu.memory_space<vmem_shared>>, %arg8: memref<!tpu.dma_semaphore, #tpu.memory_space<semaphore_mem>>, %arg9: memref<!tpu.dma_semaphore, #tpu.memory_space<semaphore_mem>>, %arg10: memref<!tpu.dma_semaphore, #tpu.memory_space<semaphore_mem>>, %arg11: memref<!tpu.dma_semaphore, #tpu.memory_space<semaphore_mem>>, %arg12: memref<!tpu.dma_semaphore, #tpu.memory_space<semaphore_mem>>) attributes {dimension_semantics = [#tpu.dimension_semantics<core_parallel>, #tpu.dimension_semantics<subcore_parallel>], iteration_bounds = array<i64: 2, 16>, scalar_prefetch = 0 : i64, scratch_operands = 9 : i64, tpu.core_type = #tpu.core_type<sc_vector_subcore>, window_params = [{transform_indices = #map}, {transform_indices = #map}]} {
    %mul3A = arith.constant 8 : i32
    %mul3A_0 = arith.muli %arg0, %mul3A : i32
    %mul3A_1 = arith.constant 128 : i32
    %mul3A_2 = arith.muli %mul3A_1, %arg1 : i32
    %sub3A = arith.constant 1920 : i32
    %sub3A_3 = arith.subi %sub3A, %mul3A_2 : i32
    %multiple_of3A = tpu.assume_multiple %sub3A_3, 128 : i32
    %mul3A_4 = arith.constant 128 : i32
    %mul3A_5 = arith.muli %mul3A_4, %arg1 : i32
    %multiple_of3A_6 = tpu.assume_multiple %mul3A_5, 8 : i32
    %eq3A = arith.constant 0 : i32
    %eq3A_7 = arith.cmpi eq, %arg1, %eq3A : i32
    %convert_element_type3A = arith.extui %eq3A_7 : i1 to i32
    %cond3A = arith.constant 0 : i32
    %cond3A_8 = arith.cmpi ne, %convert_element_type3A, %cond3A : i32
    scf.if %cond3A_8 {
      %add3A_165 = arith.constant 0 : i32
      %add3A_166 = arith.addi %mul3A_0, %add3A_165 : i32
      %dma_start3A_167 = arith.constant 0 : i32
      %dma_start3A_168 = arith.constant 0 : i32
      %dma_start3A_169 = tpu.memref_slice %arg2[%add3A_166, %dma_start3A_167, %dma_start3A_168] : memref<16x128x3968xf32, #tpu.memory_space<hbm>> -> memref<1x128x3968xf32, #tpu.memory_space<hbm>>
      %dma_start3A_170 = tpu.memref_squeeze %dma_start3A_169 : memref<1x128x3968xf32, #tpu.memory_space<hbm>> -> memref<128x3968xf32, #tpu.memory_space<hbm>>
      tpu.enqueue_dma source(%dma_start3A_170 : memref<128x3968xf32, #tpu.memory_space<hbm>>) target(%arg4 : memref<128x3968xf32, #tpu.memory_space<vmem_shared>>) target_semaphore(%arg8 : memref<!tpu.dma_semaphore, #tpu.memory_space<semaphore_mem>>)
      %add3A_171 = arith.constant 1 : i32
      %add3A_172 = arith.addi %mul3A_0, %add3A_171 : i32
      %dma_start3A_173 = arith.constant 0 : i32
      %dma_start3A_174 = arith.constant 0 : i32
      %dma_start3A_175 = tpu.memref_slice %arg2[%add3A_172, %dma_start3A_173, %dma_start3A_174] : memref<16x128x3968xf32, #tpu.memory_space<hbm>> -> memref<1x128x3968xf32, #tpu.memory_space<hbm>>
      %dma_start3A_176 = tpu.memref_squeeze %dma_start3A_175 : memref<1x128x3968xf32, #tpu.memory_space<hbm>> -> memref<128x3968xf32, #tpu.memory_space<hbm>>
      tpu.enqueue_dma source(%dma_start3A_176 : memref<128x3968xf32, #tpu.memory_space<hbm>>) target(%arg5 : memref<128x3968xf32, #tpu.memory_space<vmem_shared>>) target_semaphore(%arg9 : memref<!tpu.dma_semaphore, #tpu.memory_space<semaphore_mem>>)
      %add3A_177 = arith.constant 0 : i32
      %add3A_178 = arith.addi %mul3A_0, %add3A_177 : i32
      %dma_wait3A_179 = arith.constant 0 : i32
      %dma_wait3A_180 = arith.constant 0 : i32
      %dma_wait3A_181 = tpu.memref_slice %arg2[%add3A_178, %dma_wait3A_179, %dma_wait3A_180] : memref<16x128x3968xf32, #tpu.memory_space<hbm>> -> memref<1x128x3968xf32, #tpu.memory_space<hbm>>
      %dma_wait3A_182 = tpu.memref_squeeze %dma_wait3A_181 : memref<1x128x3968xf32, #tpu.memory_space<hbm>> -> memref<128x3968xf32, #tpu.memory_space<hbm>>
      tpu.wait_dma2 semaphore(%arg8 : memref<!tpu.dma_semaphore, #tpu.memory_space<semaphore_mem>>) src(%dma_wait3A_182 : memref<128x3968xf32, #tpu.memory_space<hbm>>) dst(%arg4 : memref<128x3968xf32, #tpu.memory_space<vmem_shared>>)
    } else {
    }
    %barrier3A = arith.constant 0 : index
    tpu.barrier barrier_id(%barrier3A)
    %add3A = arith.constant 0 : i32
    %add3A_9 = arith.addi %mul3A_0, %add3A : i32
    %dma_start3A = arith.constant 0 : i32
    %dma_start3A_10 = tpu.memref_slice %arg3[%add3A_9, %multiple_of3A_6, %dma_start3A] : memref<16x2048x2048xf32, #tpu.memory_space<hbm>> -> memref<1x128x2048xf32, #tpu.memory_space<hbm>>
    %dma_start3A_11 = tpu.memref_squeeze %dma_start3A_10 : memref<1x128x2048xf32, #tpu.memory_space<hbm>> -> memref<128x2048xf32, #tpu.memory_space<hbm>>
    %dma_start3A_12 = arith.constant 0 : i32
    %dma_start3A_13 = tpu.memref_slice %arg4[%dma_start3A_12, %multiple_of3A] : memref<128x3968xf32, #tpu.memory_space<vmem_shared>> -> memref<128x2048xf32, #tpu.memory_space<vmem_shared>>
    tpu.enqueue_dma source(%dma_start3A_13 : memref<128x2048xf32, #tpu.memory_space<vmem_shared>>) target(%dma_start3A_11 : memref<128x2048xf32, #tpu.memory_space<hbm>>) target_semaphore(%arg12 : memref<!tpu.dma_semaphore, #tpu.memory_space<semaphore_mem>>)
    %eq3A_14 = arith.constant 0 : i32
    %eq3A_15 = arith.cmpi eq, %arg1, %eq3A_14 : i32
    %convert_element_type3A_16 = arith.extui %eq3A_15 : i1 to i32
    %cond3A_17 = arith.constant 0 : i32
    %cond3A_18 = arith.cmpi ne, %convert_element_type3A_16, %cond3A_17 : i32
    scf.if %cond3A_18 {
      %add3A_165 = arith.constant 2 : i32
      %add3A_166 = arith.addi %mul3A_0, %add3A_165 : i32
      %dma_start3A_167 = arith.constant 0 : i32
      %dma_start3A_168 = arith.constant 0 : i32
      %dma_start3A_169 = tpu.memref_slice %arg2[%add3A_166, %dma_start3A_167, %dma_start3A_168] : memref<16x128x3968xf32, #tpu.memory_space<hbm>> -> memref<1x128x3968xf32, #tpu.memory_space<hbm>>
      %dma_start3A_170 = tpu.memref_squeeze %dma_start3A_169 : memref<1x128x3968xf32, #tpu.memory_space<hbm>> -> memref<128x3968xf32, #tpu.memory_space<hbm>>
      tpu.enqueue_dma source(%dma_start3A_170 : memref<128x3968xf32, #tpu.memory_space<hbm>>) target(%arg6 : memref<128x3968xf32, #tpu.memory_space<vmem_shared>>) target_semaphore(%arg10 : memref<!tpu.dma_semaphore, #tpu.memory_space<semaphore_mem>>)
      %add3A_171 = arith.constant 1 : i32
      %add3A_172 = arith.addi %mul3A_0, %add3A_171 : i32
      %dma_wait3A_173 = arith.constant 0 : i32
      %dma_wait3A_174 = arith.constant 0 : i32
      %dma_wait3A_175 = tpu.memref_slice %arg2[%add3A_172, %dma_wait3A_173, %dma_wait3A_174] : memref<16x128x3968xf32, #tpu.memory_space<hbm>> -> memref<1x128x3968xf32, #tpu.memory_space<hbm>>
      %dma_wait3A_176 = tpu.memref_squeeze %dma_wait3A_175 : memref<1x128x3968xf32, #tpu.memory_space<hbm>> -> memref<128x3968xf32, #tpu.memory_space<hbm>>
      tpu.wait_dma2 semaphore(%arg9 : memref<!tpu.dma_semaphore, #tpu.memory_space<semaphore_mem>>) src(%dma_wait3A_176 : memref<128x3968xf32, #tpu.memory_space<hbm>>) dst(%arg5 : memref<128x3968xf32, #tpu.memory_space<vmem_shared>>)
    } else {
    }
    %barrier3A_19 = arith.constant 0 : index
    tpu.barrier barrier_id(%barrier3A_19)
    %add3A_20 = arith.constant 1 : i32
    %add3A_21 = arith.addi %mul3A_0, %add3A_20 : i32
    %dma_start3A_22 = arith.constant 0 : i32
    %dma_start3A_23 = tpu.memref_slice %arg3[%add3A_21, %multiple_of3A_6, %dma_start3A_22] : memref<16x2048x2048xf32, #tpu.memory_space<hbm>> -> memref<1x128x2048xf32, #tpu.memory_space<hbm>>
    %dma_start3A_24 = tpu.memref_squeeze %dma_start3A_23 : memref<1x128x2048xf32, #tpu.memory_space<hbm>> -> memref<128x2048xf32, #tpu.memory_space<hbm>>
    %dma_start3A_25 = arith.constant 0 : i32
    %dma_start3A_26 = tpu.memref_slice %arg5[%dma_start3A_25, %multiple_of3A] : memref<128x3968xf32, #tpu.memory_space<vmem_shared>> -> memref<128x2048xf32, #tpu.memory_space<vmem_shared>>
    tpu.enqueue_dma source(%dma_start3A_26 : memref<128x2048xf32, #tpu.memory_space<vmem_shared>>) target(%dma_start3A_24 : memref<128x2048xf32, #tpu.memory_space<hbm>>) target_semaphore(%arg12 : memref<!tpu.dma_semaphore, #tpu.memory_space<semaphore_mem>>)
    %eq3A_27 = arith.constant 0 : i32
    %eq3A_28 = arith.cmpi eq, %arg1, %eq3A_27 : i32
    %convert_element_type3A_29 = arith.extui %eq3A_28 : i1 to i32
    %cond3A_30 = arith.constant 0 : i32
    %cond3A_31 = arith.cmpi ne, %convert_element_type3A_29, %cond3A_30 : i32
    scf.if %cond3A_31 {
      %add3A_165 = arith.constant 3 : i32
      %add3A_166 = arith.addi %mul3A_0, %add3A_165 : i32
      %dma_start3A_167 = arith.constant 0 : i32
      %dma_start3A_168 = arith.constant 0 : i32
      %dma_start3A_169 = tpu.memref_slice %arg2[%add3A_166, %dma_start3A_167, %dma_start3A_168] : memref<16x128x3968xf32, #tpu.memory_space<hbm>> -> memref<1x128x3968xf32, #tpu.memory_space<hbm>>
      %dma_start3A_170 = tpu.memref_squeeze %dma_start3A_169 : memref<1x128x3968xf32, #tpu.memory_space<hbm>> -> memref<128x3968xf32, #tpu.memory_space<hbm>>
      tpu.enqueue_dma source(%dma_start3A_170 : memref<128x3968xf32, #tpu.memory_space<hbm>>) target(%arg7 : memref<128x3968xf32, #tpu.memory_space<vmem_shared>>) target_semaphore(%arg11 : memref<!tpu.dma_semaphore, #tpu.memory_space<semaphore_mem>>)
      %add3A_171 = arith.constant 2 : i32
      %add3A_172 = arith.addi %mul3A_0, %add3A_171 : i32
      %dma_wait3A_173 = arith.constant 0 : i32
      %dma_wait3A_174 = arith.constant 0 : i32
      %dma_wait3A_175 = tpu.memref_slice %arg2[%add3A_172, %dma_wait3A_173, %dma_wait3A_174] : memref<16x128x3968xf32, #tpu.memory_space<hbm>> -> memref<1x128x3968xf32, #tpu.memory_space<hbm>>
      %dma_wait3A_176 = tpu.memref_squeeze %dma_wait3A_175 : memref<1x128x3968xf32, #tpu.memory_space<hbm>> -> memref<128x3968xf32, #tpu.memory_space<hbm>>
      tpu.wait_dma2 semaphore(%arg10 : memref<!tpu.dma_semaphore, #tpu.memory_space<semaphore_mem>>) src(%dma_wait3A_176 : memref<128x3968xf32, #tpu.memory_space<hbm>>) dst(%arg6 : memref<128x3968xf32, #tpu.memory_space<vmem_shared>>)
    } else {
    }
    %add3A_32 = arith.constant 0 : i32
    %add3A_33 = arith.addi %mul3A_0, %add3A_32 : i32
    %dma_wait3A = arith.constant 0 : i32
    %dma_wait3A_34 = tpu.memref_slice %arg3[%add3A_33, %multiple_of3A_6, %dma_wait3A] : memref<16x2048x2048xf32, #tpu.memory_space<hbm>> -> memref<1x128x2048xf32, #tpu.memory_space<hbm>>
    %dma_wait3A_35 = tpu.memref_squeeze %dma_wait3A_34 : memref<1x128x2048xf32, #tpu.memory_space<hbm>> -> memref<128x2048xf32, #tpu.memory_space<hbm>>
    %dma_wait3A_36 = arith.constant 0 : i32
    %dma_wait3A_37 = tpu.memref_slice %arg4[%dma_wait3A_36, %multiple_of3A] : memref<128x3968xf32, #tpu.memory_space<vmem_shared>> -> memref<128x2048xf32, #tpu.memory_space<vmem_shared>>
    tpu.wait_dma2 semaphore(%arg12 : memref<!tpu.dma_semaphore, #tpu.memory_space<semaphore_mem>>) src(%dma_wait3A_37 : memref<128x2048xf32, #tpu.memory_space<vmem_shared>>) dst(%dma_wait3A_35 : memref<128x2048xf32, #tpu.memory_space<hbm>>)
    %barrier3A_38 = arith.constant 0 : index
    tpu.barrier barrier_id(%barrier3A_38)
    %add3A_39 = arith.constant 2 : i32
    %add3A_40 = arith.addi %mul3A_0, %add3A_39 : i32
    %dma_start3A_41 = arith.constant 0 : i32
    %dma_start3A_42 = tpu.memref_slice %arg3[%add3A_40, %multiple_of3A_6, %dma_start3A_41] : memref<16x2048x2048xf32, #tpu.memory_space<hbm>> -> memref<1x128x2048xf32, #tpu.memory_space<hbm>>
    %dma_start3A_43 = tpu.memref_squeeze %dma_start3A_42 : memref<1x128x2048xf32, #tpu.memory_space<hbm>> -> memref<128x2048xf32, #tpu.memory_space<hbm>>
    %dma_start3A_44 = arith.constant 0 : i32
    %dma_start3A_45 = tpu.memref_slice %arg6[%dma_start3A_44, %multiple_of3A] : memref<128x3968xf32, #tpu.memory_space<vmem_shared>> -> memref<128x2048xf32, #tpu.memory_space<vmem_shared>>
    tpu.enqueue_dma source(%dma_start3A_45 : memref<128x2048xf32, #tpu.memory_space<vmem_shared>>) target(%dma_start3A_43 : memref<128x2048xf32, #tpu.memory_space<hbm>>) target_semaphore(%arg12 : memref<!tpu.dma_semaphore, #tpu.memory_space<semaphore_mem>>)
    %eq3A_46 = arith.constant 0 : i32
    %eq3A_47 = arith.cmpi eq, %arg1, %eq3A_46 : i32
    %convert_element_type3A_48 = arith.extui %eq3A_47 : i1 to i32
    %cond3A_49 = arith.constant 0 : i32
    %cond3A_50 = arith.cmpi ne, %convert_element_type3A_48, %cond3A_49 : i32
    scf.if %cond3A_50 {
      %add3A_165 = arith.constant 4 : i32
      %add3A_166 = arith.addi %mul3A_0, %add3A_165 : i32
      %dma_start3A_167 = arith.constant 0 : i32
      %dma_start3A_168 = arith.constant 0 : i32
      %dma_start3A_169 = tpu.memref_slice %arg2[%add3A_166, %dma_start3A_167, %dma_start3A_168] : memref<16x128x3968xf32, #tpu.memory_space<hbm>> -> memref<1x128x3968xf32, #tpu.memory_space<hbm>>
      %dma_start3A_170 = tpu.memref_squeeze %dma_start3A_169 : memref<1x128x3968xf32, #tpu.memory_space<hbm>> -> memref<128x3968xf32, #tpu.memory_space<hbm>>
      tpu.enqueue_dma source(%dma_start3A_170 : memref<128x3968xf32, #tpu.memory_space<hbm>>) target(%arg4 : memref<128x3968xf32, #tpu.memory_space<vmem_shared>>) target_semaphore(%arg8 : memref<!tpu.dma_semaphore, #tpu.memory_space<semaphore_mem>>)
      %add3A_171 = arith.constant 3 : i32
      %add3A_172 = arith.addi %mul3A_0, %add3A_171 : i32
      %dma_wait3A_173 = arith.constant 0 : i32
      %dma_wait3A_174 = arith.constant 0 : i32
      %dma_wait3A_175 = tpu.memref_slice %arg2[%add3A_172, %dma_wait3A_173, %dma_wait3A_174] : memref<16x128x3968xf32, #tpu.memory_space<hbm>> -> memref<1x128x3968xf32, #tpu.memory_space<hbm>>
      %dma_wait3A_176 = tpu.memref_squeeze %dma_wait3A_175 : memref<1x128x3968xf32, #tpu.memory_space<hbm>> -> memref<128x3968xf32, #tpu.memory_space<hbm>>
      tpu.wait_dma2 semaphore(%arg11 : memref<!tpu.dma_semaphore, #tpu.memory_space<semaphore_mem>>) src(%dma_wait3A_176 : memref<128x3968xf32, #tpu.memory_space<hbm>>) dst(%arg7 : memref<128x3968xf32, #tpu.memory_space<vmem_shared>>)
    } else {
    }
    %add3A_51 = arith.constant 1 : i32
    %add3A_52 = arith.addi %mul3A_0, %add3A_51 : i32
    %dma_wait3A_53 = arith.constant 0 : i32
    %dma_wait3A_54 = tpu.memref_slice %arg3[%add3A_52, %multiple_of3A_6, %dma_wait3A_53] : memref<16x2048x2048xf32, #tpu.memory_space<hbm>> -> memref<1x128x2048xf32, #tpu.memory_space<hbm>>
    %dma_wait3A_55 = tpu.memref_squeeze %dma_wait3A_54 : memref<1x128x2048xf32, #tpu.memory_space<hbm>> -> memref<128x2048xf32, #tpu.memory_space<hbm>>
    %dma_wait3A_56 = arith.constant 0 : i32
    %dma_wait3A_57 = tpu.memref_slice %arg5[%dma_wait3A_56, %multiple_of3A] : memref<128x3968xf32, #tpu.memory_space<vmem_shared>> -> memref<128x2048xf32, #tpu.memory_space<vmem_shared>>
    tpu.wait_dma2 semaphore(%arg12 : memref<!tpu.dma_semaphore, #tpu.memory_space<semaphore_mem>>) src(%dma_wait3A_57 : memref<128x2048xf32, #tpu.memory_space<vmem_shared>>) dst(%dma_wait3A_55 : memref<128x2048xf32, #tpu.memory_space<hbm>>)
    %barrier3A_58 = arith.constant 0 : index
    tpu.barrier barrier_id(%barrier3A_58)
    %add3A_59 = arith.constant 3 : i32
    %add3A_60 = arith.addi %mul3A_0, %add3A_59 : i32
    %dma_start3A_61 = arith.constant 0 : i32
    %dma_start3A_62 = tpu.memref_slice %arg3[%add3A_60, %multiple_of3A_6, %dma_start3A_61] : memref<16x2048x2048xf32, #tpu.memory_space<hbm>> -> memref<1x128x2048xf32, #tpu.memory_space<hbm>>
    %dma_start3A_63 = tpu.memref_squeeze %dma_start3A_62 : memref<1x128x2048xf32, #tpu.memory_space<hbm>> -> memref<128x2048xf32, #tpu.memory_space<hbm>>
    %dma_start3A_64 = arith.constant 0 : i32
    %dma_start3A_65 = tpu.memref_slice %arg7[%dma_start3A_64, %multiple_of3A] : memref<128x3968xf32, #tpu.memory_space<vmem_shared>> -> memref<128x2048xf32, #tpu.memory_space<vmem_shared>>
    tpu.enqueue_dma source(%dma_start3A_65 : memref<128x2048xf32, #tpu.memory_space<vmem_shared>>) target(%dma_start3A_63 : memref<128x2048xf32, #tpu.memory_space<hbm>>) target_semaphore(%arg12 : memref<!tpu.dma_semaphore, #tpu.memory_space<semaphore_mem>>)
    %eq3A_66 = arith.constant 0 : i32
    %eq3A_67 = arith.cmpi eq, %arg1, %eq3A_66 : i32
    %convert_element_type3A_68 = arith.extui %eq3A_67 : i1 to i32
    %cond3A_69 = arith.constant 0 : i32
    %cond3A_70 = arith.cmpi ne, %convert_element_type3A_68, %cond3A_69 : i32
    scf.if %cond3A_70 {
      %add3A_165 = arith.constant 5 : i32
      %add3A_166 = arith.addi %mul3A_0, %add3A_165 : i32
      %dma_start3A_167 = arith.constant 0 : i32
      %dma_start3A_168 = arith.constant 0 : i32
      %dma_start3A_169 = tpu.memref_slice %arg2[%add3A_166, %dma_start3A_167, %dma_start3A_168] : memref<16x128x3968xf32, #tpu.memory_space<hbm>> -> memref<1x128x3968xf32, #tpu.memory_space<hbm>>
      %dma_start3A_170 = tpu.memref_squeeze %dma_start3A_169 : memref<1x128x3968xf32, #tpu.memory_space<hbm>> -> memref<128x3968xf32, #tpu.memory_space<hbm>>
      tpu.enqueue_dma source(%dma_start3A_170 : memref<128x3968xf32, #tpu.memory_space<hbm>>) target(%arg5 : memref<128x3968xf32, #tpu.memory_space<vmem_shared>>) target_semaphore(%arg9 : memref<!tpu.dma_semaphore, #tpu.memory_space<semaphore_mem>>)
      %add3A_171 = arith.constant 4 : i32
      %add3A_172 = arith.addi %mul3A_0, %add3A_171 : i32
      %dma_wait3A_173 = arith.constant 0 : i32
      %dma_wait3A_174 = arith.constant 0 : i32
      %dma_wait3A_175 = tpu.memref_slice %arg2[%add3A_172, %dma_wait3A_173, %dma_wait3A_174] : memref<16x128x3968xf32, #tpu.memory_space<hbm>> -> memref<1x128x3968xf32, #tpu.memory_space<hbm>>
      %dma_wait3A_176 = tpu.memref_squeeze %dma_wait3A_175 : memref<1x128x3968xf32, #tpu.memory_space<hbm>> -> memref<128x3968xf32, #tpu.memory_space<hbm>>
      tpu.wait_dma2 semaphore(%arg8 : memref<!tpu.dma_semaphore, #tpu.memory_space<semaphore_mem>>) src(%dma_wait3A_176 : memref<128x3968xf32, #tpu.memory_space<hbm>>) dst(%arg4 : memref<128x3968xf32, #tpu.memory_space<vmem_shared>>)
    } else {
    }
    %add3A_71 = arith.constant 2 : i32
    %add3A_72 = arith.addi %mul3A_0, %add3A_71 : i32
    %dma_wait3A_73 = arith.constant 0 : i32
    %dma_wait3A_74 = tpu.memref_slice %arg3[%add3A_72, %multiple_of3A_6, %dma_wait3A_73] : memref<16x2048x2048xf32, #tpu.memory_space<hbm>> -> memref<1x128x2048xf32, #tpu.memory_space<hbm>>
    %dma_wait3A_75 = tpu.memref_squeeze %dma_wait3A_74 : memref<1x128x2048xf32, #tpu.memory_space<hbm>> -> memref<128x2048xf32, #tpu.memory_space<hbm>>
    %dma_wait3A_76 = arith.constant 0 : i32
    %dma_wait3A_77 = tpu.memref_slice %arg6[%dma_wait3A_76, %multiple_of3A] : memref<128x3968xf32, #tpu.memory_space<vmem_shared>> -> memref<128x2048xf32, #tpu.memory_space<vmem_shared>>
    tpu.wait_dma2 semaphore(%arg12 : memref<!tpu.dma_semaphore, #tpu.memory_space<semaphore_mem>>) src(%dma_wait3A_77 : memref<128x2048xf32, #tpu.memory_space<vmem_shared>>) dst(%dma_wait3A_75 : memref<128x2048xf32, #tpu.memory_space<hbm>>)
    %barrier3A_78 = arith.constant 0 : index
    tpu.barrier barrier_id(%barrier3A_78)
    %add3A_79 = arith.constant 4 : i32
    %add3A_80 = arith.addi %mul3A_0, %add3A_79 : i32
    %dma_start3A_81 = arith.constant 0 : i32
    %dma_start3A_82 = tpu.memref_slice %arg3[%add3A_80, %multiple_of3A_6, %dma_start3A_81] : memref<16x2048x2048xf32, #tpu.memory_space<hbm>> -> memref<1x128x2048xf32, #tpu.memory_space<hbm>>
    %dma_start3A_83 = tpu.memref_squeeze %dma_start3A_82 : memref<1x128x2048xf32, #tpu.memory_space<hbm>> -> memref<128x2048xf32, #tpu.memory_space<hbm>>
    %dma_start3A_84 = arith.constant 0 : i32
    %dma_start3A_85 = tpu.memref_slice %arg4[%dma_start3A_84, %multiple_of3A] : memref<128x3968xf32, #tpu.memory_space<vmem_shared>> -> memref<128x2048xf32, #tpu.memory_space<vmem_shared>>
    tpu.enqueue_dma source(%dma_start3A_85 : memref<128x2048xf32, #tpu.memory_space<vmem_shared>>) target(%dma_start3A_83 : memref<128x2048xf32, #tpu.memory_space<hbm>>) target_semaphore(%arg12 : memref<!tpu.dma_semaphore, #tpu.memory_space<semaphore_mem>>)
    %eq3A_86 = arith.constant 0 : i32
    %eq3A_87 = arith.cmpi eq, %arg1, %eq3A_86 : i32
    %convert_element_type3A_88 = arith.extui %eq3A_87 : i1 to i32
    %cond3A_89 = arith.constant 0 : i32
    %cond3A_90 = arith.cmpi ne, %convert_element_type3A_88, %cond3A_89 : i32
    scf.if %cond3A_90 {
      %add3A_165 = arith.constant 6 : i32
      %add3A_166 = arith.addi %mul3A_0, %add3A_165 : i32
      %dma_start3A_167 = arith.constant 0 : i32
      %dma_start3A_168 = arith.constant 0 : i32
      %dma_start3A_169 = tpu.memref_slice %arg2[%add3A_166, %dma_start3A_167, %dma_start3A_168] : memref<16x128x3968xf32, #tpu.memory_space<hbm>> -> memref<1x128x3968xf32, #tpu.memory_space<hbm>>
      %dma_start3A_170 = tpu.memref_squeeze %dma_start3A_169 : memref<1x128x3968xf32, #tpu.memory_space<hbm>> -> memref<128x3968xf32, #tpu.memory_space<hbm>>
      tpu.enqueue_dma source(%dma_start3A_170 : memref<128x3968xf32, #tpu.memory_space<hbm>>) target(%arg6 : memref<128x3968xf32, #tpu.memory_space<vmem_shared>>) target_semaphore(%arg10 : memref<!tpu.dma_semaphore, #tpu.memory_space<semaphore_mem>>)
      %add3A_171 = arith.constant 5 : i32
      %add3A_172 = arith.addi %mul3A_0, %add3A_171 : i32
      %dma_wait3A_173 = arith.constant 0 : i32
      %dma_wait3A_174 = arith.constant 0 : i32
      %dma_wait3A_175 = tpu.memref_slice %arg2[%add3A_172, %dma_wait3A_173, %dma_wait3A_174] : memref<16x128x3968xf32, #tpu.memory_space<hbm>> -> memref<1x128x3968xf32, #tpu.memory_space<hbm>>
      %dma_wait3A_176 = tpu.memref_squeeze %dma_wait3A_175 : memref<1x128x3968xf32, #tpu.memory_space<hbm>> -> memref<128x3968xf32, #tpu.memory_space<hbm>>
      tpu.wait_dma2 semaphore(%arg9 : memref<!tpu.dma_semaphore, #tpu.memory_space<semaphore_mem>>) src(%dma_wait3A_176 : memref<128x3968xf32, #tpu.memory_space<hbm>>) dst(%arg5 : memref<128x3968xf32, #tpu.memory_space<vmem_shared>>)
    } else {
    }
    %add3A_91 = arith.constant 3 : i32
    %add3A_92 = arith.addi %mul3A_0, %add3A_91 : i32
    %dma_wait3A_93 = arith.constant 0 : i32
    %dma_wait3A_94 = tpu.memref_slice %arg3[%add3A_92, %multiple_of3A_6, %dma_wait3A_93] : memref<16x2048x2048xf32, #tpu.memory_space<hbm>> -> memref<1x128x2048xf32, #tpu.memory_space<hbm>>
    %dma_wait3A_95 = tpu.memref_squeeze %dma_wait3A_94 : memref<1x128x2048xf32, #tpu.memory_space<hbm>> -> memref<128x2048xf32, #tpu.memory_space<hbm>>
    %dma_wait3A_96 = arith.constant 0 : i32
    %dma_wait3A_97 = tpu.memref_slice %arg7[%dma_wait3A_96, %multiple_of3A] : memref<128x3968xf32, #tpu.memory_space<vmem_shared>> -> memref<128x2048xf32, #tpu.memory_space<vmem_shared>>
    tpu.wait_dma2 semaphore(%arg12 : memref<!tpu.dma_semaphore, #tpu.memory_space<semaphore_mem>>) src(%dma_wait3A_97 : memref<128x2048xf32, #tpu.memory_space<vmem_shared>>) dst(%dma_wait3A_95 : memref<128x2048xf32, #tpu.memory_space<hbm>>)
    %barrier3A_98 = arith.constant 0 : index
    tpu.barrier barrier_id(%barrier3A_98)
    %add3A_99 = arith.constant 5 : i32
    %add3A_100 = arith.addi %mul3A_0, %add3A_99 : i32
    %dma_start3A_101 = arith.constant 0 : i32
    %dma_start3A_102 = tpu.memref_slice %arg3[%add3A_100, %multiple_of3A_6, %dma_start3A_101] : memref<16x2048x2048xf32, #tpu.memory_space<hbm>> -> memref<1x128x2048xf32, #tpu.memory_space<hbm>>
    %dma_start3A_103 = tpu.memref_squeeze %dma_start3A_102 : memref<1x128x2048xf32, #tpu.memory_space<hbm>> -> memref<128x2048xf32, #tpu.memory_space<hbm>>
    %dma_start3A_104 = arith.constant 0 : i32
    %dma_start3A_105 = tpu.memref_slice %arg5[%dma_start3A_104, %multiple_of3A] : memref<128x3968xf32, #tpu.memory_space<vmem_shared>> -> memref<128x2048xf32, #tpu.memory_space<vmem_shared>>
    tpu.enqueue_dma source(%dma_start3A_105 : memref<128x2048xf32, #tpu.memory_space<vmem_shared>>) target(%dma_start3A_103 : memref<128x2048xf32, #tpu.memory_space<hbm>>) target_semaphore(%arg12 : memref<!tpu.dma_semaphore, #tpu.memory_space<semaphore_mem>>)
    %eq3A_106 = arith.constant 0 : i32
    %eq3A_107 = arith.cmpi eq, %arg1, %eq3A_106 : i32
    %convert_element_type3A_108 = arith.extui %eq3A_107 : i1 to i32
    %cond3A_109 = arith.constant 0 : i32
    %cond3A_110 = arith.cmpi ne, %convert_element_type3A_108, %cond3A_109 : i32
    scf.if %cond3A_110 {
      %add3A_165 = arith.constant 7 : i32
      %add3A_166 = arith.addi %mul3A_0, %add3A_165 : i32
      %dma_start3A_167 = arith.constant 0 : i32
      %dma_start3A_168 = arith.constant 0 : i32
      %dma_start3A_169 = tpu.memref_slice %arg2[%add3A_166, %dma_start3A_167, %dma_start3A_168] : memref<16x128x3968xf32, #tpu.memory_space<hbm>> -> memref<1x128x3968xf32, #tpu.memory_space<hbm>>
      %dma_start3A_170 = tpu.memref_squeeze %dma_start3A_169 : memref<1x128x3968xf32, #tpu.memory_space<hbm>> -> memref<128x3968xf32, #tpu.memory_space<hbm>>
      tpu.enqueue_dma source(%dma_start3A_170 : memref<128x3968xf32, #tpu.memory_space<hbm>>) target(%arg7 : memref<128x3968xf32, #tpu.memory_space<vmem_shared>>) target_semaphore(%arg11 : memref<!tpu.dma_semaphore, #tpu.memory_space<semaphore_mem>>)
      %add3A_171 = arith.constant 6 : i32
      %add3A_172 = arith.addi %mul3A_0, %add3A_171 : i32
      %dma_wait3A_173 = arith.constant 0 : i32
      %dma_wait3A_174 = arith.constant 0 : i32
      %dma_wait3A_175 = tpu.memref_slice %arg2[%add3A_172, %dma_wait3A_173, %dma_wait3A_174] : memref<16x128x3968xf32, #tpu.memory_space<hbm>> -> memref<1x128x3968xf32, #tpu.memory_space<hbm>>
      %dma_wait3A_176 = tpu.memref_squeeze %dma_wait3A_175 : memref<1x128x3968xf32, #tpu.memory_space<hbm>> -> memref<128x3968xf32, #tpu.memory_space<hbm>>
      tpu.wait_dma2 semaphore(%arg10 : memref<!tpu.dma_semaphore, #tpu.memory_space<semaphore_mem>>) src(%dma_wait3A_176 : memref<128x3968xf32, #tpu.memory_space<hbm>>) dst(%arg6 : memref<128x3968xf32, #tpu.memory_space<vmem_shared>>)
    } else {
    }
    %add3A_111 = arith.constant 4 : i32
    %add3A_112 = arith.addi %mul3A_0, %add3A_111 : i32
    %dma_wait3A_113 = arith.constant 0 : i32
    %dma_wait3A_114 = tpu.memref_slice %arg3[%add3A_112, %multiple_of3A_6, %dma_wait3A_113] : memref<16x2048x2048xf32, #tpu.memory_space<hbm>> -> memref<1x128x2048xf32, #tpu.memory_space<hbm>>
    %dma_wait3A_115 = tpu.memref_squeeze %dma_wait3A_114 : memref<1x128x2048xf32, #tpu.memory_space<hbm>> -> memref<128x2048xf32, #tpu.memory_space<hbm>>
    %dma_wait3A_116 = arith.constant 0 : i32
    %dma_wait3A_117 = tpu.memref_slice %arg4[%dma_wait3A_116, %multiple_of3A] : memref<128x3968xf32, #tpu.memory_space<vmem_shared>> -> memref<128x2048xf32, #tpu.memory_space<vmem_shared>>
    tpu.wait_dma2 semaphore(%arg12 : memref<!tpu.dma_semaphore, #tpu.memory_space<semaphore_mem>>) src(%dma_wait3A_117 : memref<128x2048xf32, #tpu.memory_space<vmem_shared>>) dst(%dma_wait3A_115 : memref<128x2048xf32, #tpu.memory_space<hbm>>)
    %barrier3A_118 = arith.constant 0 : index
    tpu.barrier barrier_id(%barrier3A_118)
    %add3A_119 = arith.constant 6 : i32
    %add3A_120 = arith.addi %mul3A_0, %add3A_119 : i32
    %dma_start3A_121 = arith.constant 0 : i32
    %dma_start3A_122 = tpu.memref_slice %arg3[%add3A_120, %multiple_of3A_6, %dma_start3A_121] : memref<16x2048x2048xf32, #tpu.memory_space<hbm>> -> memref<1x128x2048xf32, #tpu.memory_space<hbm>>
    %dma_start3A_123 = tpu.memref_squeeze %dma_start3A_122 : memref<1x128x2048xf32, #tpu.memory_space<hbm>> -> memref<128x2048xf32, #tpu.memory_space<hbm>>
    %dma_start3A_124 = arith.constant 0 : i32
    %dma_start3A_125 = tpu.memref_slice %arg6[%dma_start3A_124, %multiple_of3A] : memref<128x3968xf32, #tpu.memory_space<vmem_shared>> -> memref<128x2048xf32, #tpu.memory_space<vmem_shared>>
    tpu.enqueue_dma source(%dma_start3A_125 : memref<128x2048xf32, #tpu.memory_space<vmem_shared>>) target(%dma_start3A_123 : memref<128x2048xf32, #tpu.memory_space<hbm>>) target_semaphore(%arg12 : memref<!tpu.dma_semaphore, #tpu.memory_space<semaphore_mem>>)
    %eq3A_126 = arith.constant 0 : i32
    %eq3A_127 = arith.cmpi eq, %arg1, %eq3A_126 : i32
    %convert_element_type3A_128 = arith.extui %eq3A_127 : i1 to i32
    %cond3A_129 = arith.constant 0 : i32
    %cond3A_130 = arith.cmpi ne, %convert_element_type3A_128, %cond3A_129 : i32
    scf.if %cond3A_130 {
      %add3A_165 = arith.constant 7 : i32
      %add3A_166 = arith.addi %mul3A_0, %add3A_165 : i32
      %dma_wait3A_167 = arith.constant 0 : i32
      %dma_wait3A_168 = arith.constant 0 : i32
      %dma_wait3A_169 = tpu.memref_slice %arg2[%add3A_166, %dma_wait3A_167, %dma_wait3A_168] : memref<16x128x3968xf32, #tpu.memory_space<hbm>> -> memref<1x128x3968xf32, #tpu.memory_space<hbm>>
      %dma_wait3A_170 = tpu.memref_squeeze %dma_wait3A_169 : memref<1x128x3968xf32, #tpu.memory_space<hbm>> -> memref<128x3968xf32, #tpu.memory_space<hbm>>
      tpu.wait_dma2 semaphore(%arg11 : memref<!tpu.dma_semaphore, #tpu.memory_space<semaphore_mem>>) src(%dma_wait3A_170 : memref<128x3968xf32, #tpu.memory_space<hbm>>) dst(%arg7 : memref<128x3968xf32, #tpu.memory_space<vmem_shared>>)
    } else {
    }
    %add3A_131 = arith.constant 5 : i32
    %add3A_132 = arith.addi %mul3A_0, %add3A_131 : i32
    %dma_wait3A_133 = arith.constant 0 : i32
    %dma_wait3A_134 = tpu.memref_slice %arg3[%add3A_132, %multiple_of3A_6, %dma_wait3A_133] : memref<16x2048x2048xf32, #tpu.memory_space<hbm>> -> memref<1x128x2048xf32, #tpu.memory_space<hbm>>
    %dma_wait3A_135 = tpu.memref_squeeze %dma_wait3A_134 : memref<1x128x2048xf32, #tpu.memory_space<hbm>> -> memref<128x2048xf32, #tpu.memory_space<hbm>>
    %dma_wait3A_136 = arith.constant 0 : i32
    %dma_wait3A_137 = tpu.memref_slice %arg5[%dma_wait3A_136, %multiple_of3A] : memref<128x3968xf32, #tpu.memory_space<vmem_shared>> -> memref<128x2048xf32, #tpu.memory_space<vmem_shared>>
    tpu.wait_dma2 semaphore(%arg12 : memref<!tpu.dma_semaphore, #tpu.memory_space<semaphore_mem>>) src(%dma_wait3A_137 : memref<128x2048xf32, #tpu.memory_space<vmem_shared>>) dst(%dma_wait3A_135 : memref<128x2048xf32, #tpu.memory_space<hbm>>)
    %barrier3A_138 = arith.constant 0 : index
    tpu.barrier barrier_id(%barrier3A_138)
    %add3A_139 = arith.constant 7 : i32
    %add3A_140 = arith.addi %mul3A_0, %add3A_139 : i32
    %dma_start3A_141 = arith.constant 0 : i32
    %dma_start3A_142 = tpu.memref_slice %arg3[%add3A_140, %multiple_of3A_6, %dma_start3A_141] : memref<16x2048x2048xf32, #tpu.memory_space<hbm>> -> memref<1x128x2048xf32, #tpu.memory_space<hbm>>
    %dma_start3A_143 = tpu.memref_squeeze %dma_start3A_142 : memref<1x128x2048xf32, #tpu.memory_space<hbm>> -> memref<128x2048xf32, #tpu.memory_space<hbm>>
    %dma_start3A_144 = arith.constant 0 : i32
    %dma_start3A_145 = tpu.memref_slice %arg7[%dma_start3A_144, %multiple_of3A] : memref<128x3968xf32, #tpu.memory_space<vmem_shared>> -> memref<128x2048xf32, #tpu.memory_space<vmem_shared>>
    tpu.enqueue_dma source(%dma_start3A_145 : memref<128x2048xf32, #tpu.memory_space<vmem_shared>>) target(%dma_start3A_143 : memref<128x2048xf32, #tpu.memory_space<hbm>>) target_semaphore(%arg12 : memref<!tpu.dma_semaphore, #tpu.memory_space<semaphore_mem>>)
    %eq3A_146 = arith.constant 0 : i32
    %eq3A_147 = arith.cmpi eq, %arg1, %eq3A_146 : i32
    %convert_element_type3A_148 = arith.extui %eq3A_147 : i1 to i32
    %cond3A_149 = arith.constant 0 : i32
    %cond3A_150 = arith.cmpi ne, %convert_element_type3A_148, %cond3A_149 : i32
    scf.if %cond3A_150 {
    } else {
    }
    %add3A_151 = arith.constant 6 : i32
    %add3A_152 = arith.addi %mul3A_0, %add3A_151 : i32
    %dma_wait3A_153 = arith.constant 0 : i32
    %dma_wait3A_154 = tpu.memref_slice %arg3[%add3A_152, %multiple_of3A_6, %dma_wait3A_153] : memref<16x2048x2048xf32, #tpu.memory_space<hbm>> -> memref<1x128x2048xf32, #tpu.memory_space<hbm>>
    %dma_wait3A_155 = tpu.memref_squeeze %dma_wait3A_154 : memref<1x128x2048xf32, #tpu.memory_space<hbm>> -> memref<128x2048xf32, #tpu.memory_space<hbm>>
    %dma_wait3A_156 = arith.constant 0 : i32
    %dma_wait3A_157 = tpu.memref_slice %arg6[%dma_wait3A_156, %multiple_of3A] : memref<128x3968xf32, #tpu.memory_space<vmem_shared>> -> memref<128x2048xf32, #tpu.memory_space<vmem_shared>>
    tpu.wait_dma2 semaphore(%arg12 : memref<!tpu.dma_semaphore, #tpu.memory_space<semaphore_mem>>) src(%dma_wait3A_157 : memref<128x2048xf32, #tpu.memory_space<vmem_shared>>) dst(%dma_wait3A_155 : memref<128x2048xf32, #tpu.memory_space<hbm>>)
    %add3A_158 = arith.constant 7 : i32
    %add3A_159 = arith.addi %mul3A_0, %add3A_158 : i32
    %dma_wait3A_160 = arith.constant 0 : i32
    %dma_wait3A_161 = tpu.memref_slice %arg3[%add3A_159, %multiple_of3A_6, %dma_wait3A_160] : memref<16x2048x2048xf32, #tpu.memory_space<hbm>> -> memref<1x128x2048xf32, #tpu.memory_space<hbm>>
    %dma_wait3A_162 = tpu.memref_squeeze %dma_wait3A_161 : memref<1x128x2048xf32, #tpu.memory_space<hbm>> -> memref<128x2048xf32, #tpu.memory_space<hbm>>
    %dma_wait3A_163 = arith.constant 0 : i32
    %dma_wait3A_164 = tpu.memref_slice %arg7[%dma_wait3A_163, %multiple_of3A] : memref<128x3968xf32, #tpu.memory_space<vmem_shared>> -> memref<128x2048xf32, #tpu.memory_space<vmem_shared>>
    tpu.wait_dma2 semaphore(%arg12 : memref<!tpu.dma_semaphore, #tpu.memory_space<semaphore_mem>>) src(%dma_wait3A_164 : memref<128x2048xf32, #tpu.memory_space<vmem_shared>>) dst(%dma_wait3A_162 : memref<128x2048xf32, #tpu.memory_space<hbm>>)
    return
  }
}

module attributes {stable_mosaic.version = 14 : i64} {
  func.func @_diag_body(%arg0: i32, %arg1: memref<1xi32, #tpu.memory_space<smem>>, %arg2: memref<16x32xf32, #tpu.memory_space<vmem>>, %arg3: memref<1x128x3968xf32, #tpu.memory_space<vmem>>) attributes {dimension_semantics = [#tpu.dimension_semantics<arbitrary>], iteration_bounds = array<i64: 16>, scalar_prefetch = 0 : i64, scratch_operands = 0 : i64, tpu.core_type = #tpu.core_type<tc>, window_params = [{transform_indices = @transform_0, window_bounds = array<i64: 1>}, {pipeline_mode = #tpu.pipeline_mode<synchronous>, transform_indices = @transform_1, window_bounds = array<i64: 16, 32>}, {transform_indices = @transform_2, window_bounds = array<i64: 1, 128, 3968>}]} {
    %get3A = arith.constant 0 : index
    %get3A_0 = memref.load %arg1[%get3A] : memref<1xi32, #tpu.memory_space<smem>>
    %iota3A = tpu.iota {dimensions = array<i32: 1>} : vector<32x4096xi32>
    %iota3A_1 = tpu.iota {dimensions = array<i32: 0>} : vector<32x4096xi32>
    %sub3A = arith.constant 2047 : i32
    %sub3A_2 = vector.broadcast %sub3A : i32 to vector<32x4096xi32>
    %sub3A_3 = arith.subi %iota3A, %sub3A_2 : vector<32x4096xi32>
    %add3A = vector.broadcast %get3A_0 : i32 to vector<32x4096xi32>
    %add3A_4 = arith.addi %sub3A_3, %add3A : vector<32x4096xi32>
    %abs3A = math.absi %add3A_4 : vector<32x4096xi32>
    %broadcast_in_dim3A = arith.constant 0 : i32
    %broadcast_in_dim3A_5 = vector.broadcast %broadcast_in_dim3A : i32 to vector<32x4096xi32>
    %ge3A = arith.constant 1 : i32
    %ge3A_6 = vector.broadcast %ge3A : i32 to vector<32x4096xi32>
    %ge3A_7 = arith.cmpi sge, %abs3A, %ge3A_6 : vector<32x4096xi32>
    %convert_element_type3A = arith.extui %ge3A_7 : vector<32x4096xi1> to vector<32x4096xi32>
    %add3A_8 = arith.addi %broadcast_in_dim3A_5, %convert_element_type3A : vector<32x4096xi32>
    %ge3A_9 = arith.constant 2 : i32
    %ge3A_10 = vector.broadcast %ge3A_9 : i32 to vector<32x4096xi32>
    %ge3A_11 = arith.cmpi sge, %abs3A, %ge3A_10 : vector<32x4096xi32>
    %convert_element_type3A_12 = arith.extui %ge3A_11 : vector<32x4096xi1> to vector<32x4096xi32>
    %add3A_13 = arith.addi %add3A_8, %convert_element_type3A_12 : vector<32x4096xi32>
    %ge3A_14 = arith.constant 3 : i32
    %ge3A_15 = vector.broadcast %ge3A_14 : i32 to vector<32x4096xi32>
    %ge3A_16 = arith.cmpi sge, %abs3A, %ge3A_15 : vector<32x4096xi32>
    %convert_element_type3A_17 = arith.extui %ge3A_16 : vector<32x4096xi1> to vector<32x4096xi32>
    %add3A_18 = arith.addi %add3A_13, %convert_element_type3A_17 : vector<32x4096xi32>
    %ge3A_19 = arith.constant 4 : i32
    %ge3A_20 = vector.broadcast %ge3A_19 : i32 to vector<32x4096xi32>
    %ge3A_21 = arith.cmpi sge, %abs3A, %ge3A_20 : vector<32x4096xi32>
    %convert_element_type3A_22 = arith.extui %ge3A_21 : vector<32x4096xi1> to vector<32x4096xi32>
    %add3A_23 = arith.addi %add3A_18, %convert_element_type3A_22 : vector<32x4096xi32>
    %ge3A_24 = arith.constant 5 : i32
    %ge3A_25 = vector.broadcast %ge3A_24 : i32 to vector<32x4096xi32>
    %ge3A_26 = arith.cmpi sge, %abs3A, %ge3A_25 : vector<32x4096xi32>
    %convert_element_type3A_27 = arith.extui %ge3A_26 : vector<32x4096xi1> to vector<32x4096xi32>
    %add3A_28 = arith.addi %add3A_23, %convert_element_type3A_27 : vector<32x4096xi32>
    %ge3A_29 = arith.constant 6 : i32
    %ge3A_30 = vector.broadcast %ge3A_29 : i32 to vector<32x4096xi32>
    %ge3A_31 = arith.cmpi sge, %abs3A, %ge3A_30 : vector<32x4096xi32>
    %convert_element_type3A_32 = arith.extui %ge3A_31 : vector<32x4096xi1> to vector<32x4096xi32>
    %add3A_33 = arith.addi %add3A_28, %convert_element_type3A_32 : vector<32x4096xi32>
    %ge3A_34 = arith.constant 7 : i32
    %ge3A_35 = vector.broadcast %ge3A_34 : i32 to vector<32x4096xi32>
    %ge3A_36 = arith.cmpi sge, %abs3A, %ge3A_35 : vector<32x4096xi32>
    %convert_element_type3A_37 = arith.extui %ge3A_36 : vector<32x4096xi1> to vector<32x4096xi32>
    %add3A_38 = arith.addi %add3A_33, %convert_element_type3A_37 : vector<32x4096xi32>
    %ge3A_39 = arith.constant 8 : i32
    %ge3A_40 = vector.broadcast %ge3A_39 : i32 to vector<32x4096xi32>
    %ge3A_41 = arith.cmpi sge, %abs3A, %ge3A_40 : vector<32x4096xi32>
    %convert_element_type3A_42 = arith.extui %ge3A_41 : vector<32x4096xi1> to vector<32x4096xi32>
    %add3A_43 = arith.addi %add3A_38, %convert_element_type3A_42 : vector<32x4096xi32>
    %ge3A_44 = arith.constant 12 : i32
    %ge3A_45 = vector.broadcast %ge3A_44 : i32 to vector<32x4096xi32>
    %ge3A_46 = arith.cmpi sge, %abs3A, %ge3A_45 : vector<32x4096xi32>
    %convert_element_type3A_47 = arith.extui %ge3A_46 : vector<32x4096xi1> to vector<32x4096xi32>
    %add3A_48 = arith.addi %add3A_43, %convert_element_type3A_47 : vector<32x4096xi32>
    %ge3A_49 = arith.constant 16 : i32
    %ge3A_50 = vector.broadcast %ge3A_49 : i32 to vector<32x4096xi32>
    %ge3A_51 = arith.cmpi sge, %abs3A, %ge3A_50 : vector<32x4096xi32>
    %convert_element_type3A_52 = arith.extui %ge3A_51 : vector<32x4096xi1> to vector<32x4096xi32>
    %add3A_53 = arith.addi %add3A_48, %convert_element_type3A_52 : vector<32x4096xi32>
    %ge3A_54 = arith.constant 23 : i32
    %ge3A_55 = vector.broadcast %ge3A_54 : i32 to vector<32x4096xi32>
    %ge3A_56 = arith.cmpi sge, %abs3A, %ge3A_55 : vector<32x4096xi32>
    %convert_element_type3A_57 = arith.extui %ge3A_56 : vector<32x4096xi1> to vector<32x4096xi32>
    %add3A_58 = arith.addi %add3A_53, %convert_element_type3A_57 : vector<32x4096xi32>
    %ge3A_59 = arith.constant 32 : i32
    %ge3A_60 = vector.broadcast %ge3A_59 : i32 to vector<32x4096xi32>
    %ge3A_61 = arith.cmpi sge, %abs3A, %ge3A_60 : vector<32x4096xi32>
    %convert_element_type3A_62 = arith.extui %ge3A_61 : vector<32x4096xi1> to vector<32x4096xi32>
    %add3A_63 = arith.addi %add3A_58, %convert_element_type3A_62 : vector<32x4096xi32>
    %ge3A_64 = arith.constant 46 : i32
    %ge3A_65 = vector.broadcast %ge3A_64 : i32 to vector<32x4096xi32>
    %ge3A_66 = arith.cmpi sge, %abs3A, %ge3A_65 : vector<32x4096xi32>
    %convert_element_type3A_67 = arith.extui %ge3A_66 : vector<32x4096xi1> to vector<32x4096xi32>
    %add3A_68 = arith.addi %add3A_63, %convert_element_type3A_67 : vector<32x4096xi32>
    %ge3A_69 = arith.constant 64 : i32
    %ge3A_70 = vector.broadcast %ge3A_69 : i32 to vector<32x4096xi32>
    %ge3A_71 = arith.cmpi sge, %abs3A, %ge3A_70 : vector<32x4096xi32>
    %convert_element_type3A_72 = arith.extui %ge3A_71 : vector<32x4096xi1> to vector<32x4096xi32>
    %add3A_73 = arith.addi %add3A_68, %convert_element_type3A_72 : vector<32x4096xi32>
    %ge3A_74 = arith.constant 91 : i32
    %ge3A_75 = vector.broadcast %ge3A_74 : i32 to vector<32x4096xi32>
    %ge3A_76 = arith.cmpi sge, %abs3A, %ge3A_75 : vector<32x4096xi32>
    %convert_element_type3A_77 = arith.extui %ge3A_76 : vector<32x4096xi1> to vector<32x4096xi32>
    %add3A_78 = arith.addi %add3A_73, %convert_element_type3A_77 : vector<32x4096xi32>
    %gt3A = arith.constant 0 : i32
    %gt3A_79 = vector.broadcast %gt3A : i32 to vector<32x4096xi32>
    %gt3A_80 = arith.cmpi sgt, %add3A_4, %gt3A_79 : vector<32x4096xi32>
    %jit3A = arith.constant 16 : i32
    %jit3A_81 = arith.constant 0 : i32
    %broadcast_in_dim3A_82 = vector.broadcast %jit3A : i32 to vector<32x4096xi32>
    %broadcast_in_dim3A_83 = vector.broadcast %jit3A_81 : i32 to vector<32x4096xi32>
    %select_n3A = arith.select %gt3A_80, %broadcast_in_dim3A_82, %broadcast_in_dim3A_83 : vector<32x4096xi1>, vector<32x4096xi32>
    %add3A_84 = arith.addi %select_n3A, %add3A_78 : vector<32x4096xi32>
    %eq3A = arith.cmpi eq, %add3A_84, %iota3A_1 : vector<32x4096xi32>
    %convert_element_type3A_85 = arith.extui %eq3A : vector<32x4096xi1> to vector<32x4096xi32>
    %convert_element_type3A_86 = arith.sitofp %convert_element_type3A_85 : vector<32x4096xi32> to vector<32x4096xf32>
    %get3A_87 = arith.index_cast %arg0 : i32 to index
    %get3A_88 = arith.constant 0 : index
    %get3A_89 = vector.load %arg2[%get3A_87, %get3A_88] : memref<16x32xf32, #tpu.memory_space<vmem>>, vector<1x32xf32>
    %dot_general3A = arith.constant dense<0.000000e+00> : vector<1x4096xf32>
    %dot_general3A_90 = tpu.matmul %get3A_89, %convert_element_type3A_86, %dot_general3A {dimension_numbers = #tpu.dot_dimension_numbers<[1], [0], [0], [1], [0, 0, 1, 1], [], []>, precision = #tpu.contract_precision<fp32>, transpose_lhs_hint = false} : vector<1x32xf32>, vector<32x4096xf32>, vector<1x4096xf32> -> vector<1x4096xf32>
    %slice3A = vector.extract_strided_slice %dot_general3A_90 {offsets = [0, 127], sizes = [1, 3968], strides = [1, 1]} : vector<1x4096xf32> to vector<1x3968xf32>
    %squeeze3A = vector.shape_cast %slice3A : vector<1x3968xf32> to vector<3968xf32>
    %swap3A = arith.constant 0 : index
    %swap3A_91 = arith.constant 0 : index
    %swap3A_92 = arith.constant 0 : index
    %swap3A_93 = vector.load %arg3[%swap3A, %swap3A_91, %swap3A_92] : memref<1x128x3968xf32, #tpu.memory_space<vmem>>, vector<1x1x3968xf32>
    %swap3A_94 = vector.shape_cast %swap3A_93 : vector<1x1x3968xf32> to vector<3968xf32>
    %swap3A_95 = vector.shape_cast %squeeze3A : vector<3968xf32> to vector<1x1x3968xf32>
    tpu.vector_store %arg3[%swap3A, %swap3A_91, %swap3A_92], %swap3A_95 {strides = array<i32>} : memref<1x128x3968xf32, #tpu.memory_space<vmem>>, vector<1x1x3968xf32>,
    %slice3A_96 = vector.extract_strided_slice %dot_general3A_90 {offsets = [0, 126], sizes = [1, 3968], strides = [1, 1]} : vector<1x4096xf32> to vector<1x3968xf32>
    %squeeze3A_97 = vector.shape_cast %slice3A_96 : vector<1x3968xf32> to vector<3968xf32>
    %swap3A_98 = arith.constant 0 : index
    %swap3A_99 = arith.constant 1 : index
    %swap3A_100 = arith.constant 0 : index
    %swap3A_101 = vector.load %arg3[%swap3A_98, %swap3A_99, %swap3A_100] : memref<1x128x3968xf32, #tpu.memory_space<vmem>>, vector<1x1x3968xf32>
    %swap3A_102 = vector.shape_cast %swap3A_101 : vector<1x1x3968xf32> to vector<3968xf32>
    %swap3A_103 = vector.shape_cast %squeeze3A_97 : vector<3968xf32> to vector<1x1x3968xf32>
    tpu.vector_store %arg3[%swap3A_98, %swap3A_99, %swap3A_100], %swap3A_103 {strides = array<i32>} : memref<1x128x3968xf32, #tpu.memory_space<vmem>>, vector<1x1x3968xf32>,
    %slice3A_104 = vector.extract_strided_slice %dot_general3A_90 {offsets = [0, 125], sizes = [1, 3968], strides = [1, 1]} : vector<1x4096xf32> to vector<1x3968xf32>
    %squeeze3A_105 = vector.shape_cast %slice3A_104 : vector<1x3968xf32> to vector<3968xf32>
    %swap3A_106 = arith.constant 0 : index
    %swap3A_107 = arith.constant 2 : index
    %swap3A_108 = arith.constant 0 : index
    %swap3A_109 = vector.load %arg3[%swap3A_106, %swap3A_107, %swap3A_108] : memref<1x128x3968xf32, #tpu.memory_space<vmem>>, vector<1x1x3968xf32>
    %swap3A_110 = vector.shape_cast %swap3A_109 : vector<1x1x3968xf32> to vector<3968xf32>
    %swap3A_111 = vector.shape_cast %squeeze3A_105 : vector<3968xf32> to vector<1x1x3968xf32>
    tpu.vector_store %arg3[%swap3A_106, %swap3A_107, %swap3A_108], %swap3A_111 {strides = array<i32>} : memref<1x128x3968xf32, #tpu.memory_space<vmem>>, vector<1x1x3968xf32>,
    %slice3A_112 = vector.extract_strided_slice %dot_general3A_90 {offsets = [0, 124], sizes = [1, 3968], strides = [1, 1]} : vector<1x4096xf32> to vector<1x3968xf32>
    %squeeze3A_113 = vector.shape_cast %slice3A_112 : vector<1x3968xf32> to vector<3968xf32>
    %swap3A_114 = arith.constant 0 : index
    %swap3A_115 = arith.constant 3 : index
    %swap3A_116 = arith.constant 0 : index
    %swap3A_117 = vector.load %arg3[%swap3A_114, %swap3A_115, %swap3A_116] : memref<1x128x3968xf32, #tpu.memory_space<vmem>>, vector<1x1x3968xf32>
    %swap3A_118 = vector.shape_cast %swap3A_117 : vector<1x1x3968xf32> to vector<3968xf32>
    %swap3A_119 = vector.shape_cast %squeeze3A_113 : vector<3968xf32> to vector<1x1x3968xf32>
    tpu.vector_store %arg3[%swap3A_114, %swap3A_115, %swap3A_116], %swap3A_119 {strides = array<i32>} : memref<1x128x3968xf32, #tpu.memory_space<vmem>>, vector<1x1x3968xf32>,
    %slice3A_120 = vector.extract_strided_slice %dot_general3A_90 {offsets = [0, 123], sizes = [1, 3968], strides = [1, 1]} : vector<1x4096xf32> to vector<1x3968xf32>
    %squeeze3A_121 = vector.shape_cast %slice3A_120 : vector<1x3968xf32> to vector<3968xf32>
    %swap3A_122 = arith.constant 0 : index
    %swap3A_123 = arith.constant 4 : index
    %swap3A_124 = arith.constant 0 : index
    %swap3A_125 = vector.load %arg3[%swap3A_122, %swap3A_123, %swap3A_124] : memref<1x128x3968xf32, #tpu.memory_space<vmem>>, vector<1x1x3968xf32>
    %swap3A_126 = vector.shape_cast %swap3A_125 : vector<1x1x3968xf32> to vector<3968xf32>
    %swap3A_127 = vector.shape_cast %squeeze3A_121 : vector<3968xf32> to vector<1x1x3968xf32>
    tpu.vector_store %arg3[%swap3A_122, %swap3A_123, %swap3A_124], %swap3A_127 {strides = array<i32>} : memref<1x128x3968xf32, #tpu.memory_space<vmem>>, vector<1x1x3968xf32>,
    %slice3A_128 = vector.extract_strided_slice %dot_general3A_90 {offsets = [0, 122], sizes = [1, 3968], strides = [1, 1]} : vector<1x4096xf32> to vector<1x3968xf32>
    %squeeze3A_129 = vector.shape_cast %slice3A_128 : vector<1x3968xf32> to vector<3968xf32>
    %swap3A_130 = arith.constant 0 : index
    %swap3A_131 = arith.constant 5 : index
    %swap3A_132 = arith.constant 0 : index
    %swap3A_133 = vector.load %arg3[%swap3A_130, %swap3A_131, %swap3A_132] : memref<1x128x3968xf32, #tpu.memory_space<vmem>>, vector<1x1x3968xf32>
    %swap3A_134 = vector.shape_cast %swap3A_133 : vector<1x1x3968xf32> to vector<3968xf32>
    %swap3A_135 = vector.shape_cast %squeeze3A_129 : vector<3968xf32> to vector<1x1x3968xf32>
    tpu.vector_store %arg3[%swap3A_130, %swap3A_131, %swap3A_132], %swap3A_135 {strides = array<i32>} : memref<1x128x3968xf32, #tpu.memory_space<vmem>>, vector<1x1x3968xf32>,
    %slice3A_136 = vector.extract_strided_slice %dot_general3A_90 {offsets = [0, 121], sizes = [1, 3968], strides = [1, 1]} : vector<1x4096xf32> to vector<1x3968xf32>
    %squeeze3A_137 = vector.shape_cast %slice3A_136 : vector<1x3968xf32> to vector<3968xf32>
    %swap3A_138 = arith.constant 0 : index
    %swap3A_139 = arith.constant 6 : index
    %swap3A_140 = arith.constant 0 : index
    %swap3A_141 = vector.load %arg3[%swap3A_138, %swap3A_139, %swap3A_140] : memref<1x128x3968xf32, #tpu.memory_space<vmem>>, vector<1x1x3968xf32>
    %swap3A_142 = vector.shape_cast %swap3A_141 : vector<1x1x3968xf32> to vector<3968xf32>
    %swap3A_143 = vector.shape_cast %squeeze3A_137 : vector<3968xf32> to vector<1x1x3968xf32>
    tpu.vector_store %arg3[%swap3A_138, %swap3A_139, %swap3A_140], %swap3A_143 {strides = array<i32>} : memref<1x128x3968xf32, #tpu.memory_space<vmem>>, vector<1x1x3968xf32>,
    %slice3A_144 = vector.extract_strided_slice %dot_general3A_90 {offsets = [0, 120], sizes = [1, 3968], strides = [1, 1]} : vector<1x4096xf32> to vector<1x3968xf32>
    %squeeze3A_145 = vector.shape_cast %slice3A_144 : vector<1x3968xf32> to vector<3968xf32>
    %swap3A_146 = arith.constant 0 : index
    %swap3A_147 = arith.constant 7 : index
    %swap3A_148 = arith.constant 0 : index
    %swap3A_149 = vector.load %arg3[%swap3A_146, %swap3A_147, %swap3A_148] : memref<1x128x3968xf32, #tpu.memory_space<vmem>>, vector<1x1x3968xf32>
    %swap3A_150 = vector.shape_cast %swap3A_149 : vector<1x1x3968xf32> to vector<3968xf32>
    %swap3A_151 = vector.shape_cast %squeeze3A_145 : vector<3968xf32> to vector<1x1x3968xf32>
    tpu.vector_store %arg3[%swap3A_146, %swap3A_147, %swap3A_148], %swap3A_151 {strides = array<i32>} : memref<1x128x3968xf32, #tpu.memory_space<vmem>>, vector<1x1x3968xf32>,
    %slice3A_152 = vector.extract_strided_slice %dot_general3A_90 {offsets = [0, 119], sizes = [1, 3968], strides = [1, 1]} : vector<1x4096xf32> to vector<1x3968xf32>
    %squeeze3A_153 = vector.shape_cast %slice3A_152 : vector<1x3968xf32> to vector<3968xf32>
    %swap3A_154 = arith.constant 0 : index
    %swap3A_155 = arith.constant 8 : index
    %swap3A_156 = arith.constant 0 : index
    %swap3A_157 = vector.load %arg3[%swap3A_154, %swap3A_155, %swap3A_156] : memref<1x128x3968xf32, #tpu.memory_space<vmem>>, vector<1x1x3968xf32>
    %swap3A_158 = vector.shape_cast %swap3A_157 : vector<1x1x3968xf32> to vector<3968xf32>
    %swap3A_159 = vector.shape_cast %squeeze3A_153 : vector<3968xf32> to vector<1x1x3968xf32>
    tpu.vector_store %arg3[%swap3A_154, %swap3A_155, %swap3A_156], %swap3A_159 {strides = array<i32>} : memref<1x128x3968xf32, #tpu.memory_space<vmem>>, vector<1x1x3968xf32>,
    %slice3A_160 = vector.extract_strided_slice %dot_general3A_90 {offsets = [0, 118], sizes = [1, 3968], strides = [1, 1]} : vector<1x4096xf32> to vector<1x3968xf32>
    %squeeze3A_161 = vector.shape_cast %slice3A_160 : vector<1x3968xf32> to vector<3968xf32>
    %swap3A_162 = arith.constant 0 : index
    %swap3A_163 = arith.constant 9 : index
    %swap3A_164 = arith.constant 0 : index
    %swap3A_165 = vector.load %arg3[%swap3A_162, %swap3A_163, %swap3A_164] : memref<1x128x3968xf32, #tpu.memory_space<vmem>>, vector<1x1x3968xf32>
    %swap3A_166 = vector.shape_cast %swap3A_165 : vector<1x1x3968xf32> to vector<3968xf32>
    %swap3A_167 = vector.shape_cast %squeeze3A_161 : vector<3968xf32> to vector<1x1x3968xf32>
    tpu.vector_store %arg3[%swap3A_162, %swap3A_163, %swap3A_164], %swap3A_167 {strides = array<i32>} : memref<1x128x3968xf32, #tpu.memory_space<vmem>>, vector<1x1x3968xf32>,
    %slice3A_168 = vector.extract_strided_slice %dot_general3A_90 {offsets = [0, 117], sizes = [1, 3968], strides = [1, 1]} : vector<1x4096xf32> to vector<1x3968xf32>
    %squeeze3A_169 = vector.shape_cast %slice3A_168 : vector<1x3968xf32> to vector<3968xf32>
    %swap3A_170 = arith.constant 0 : index
    %swap3A_171 = arith.constant 10 : index
    %swap3A_172 = arith.constant 0 : index
    %swap3A_173 = vector.load %arg3[%swap3A_170, %swap3A_171, %swap3A_172] : memref<1x128x3968xf32, #tpu.memory_space<vmem>>, vector<1x1x3968xf32>
    %swap3A_174 = vector.shape_cast %swap3A_173 : vector<1x1x3968xf32> to vector<3968xf32>
    %swap3A_175 = vector.shape_cast %squeeze3A_169 : vector<3968xf32> to vector<1x1x3968xf32>
    tpu.vector_store %arg3[%swap3A_170, %swap3A_171, %swap3A_172], %swap3A_175 {strides = array<i32>} : memref<1x128x3968xf32, #tpu.memory_space<vmem>>, vector<1x1x3968xf32>,
    %slice3A_176 = vector.extract_strided_slice %dot_general3A_90 {offsets = [0, 116], sizes = [1, 3968], strides = [1, 1]} : vector<1x4096xf32> to vector<1x3968xf32>
    %squeeze3A_177 = vector.shape_cast %slice3A_176 : vector<1x3968xf32> to vector<3968xf32>
    %swap3A_178 = arith.constant 0 : index
    %swap3A_179 = arith.constant 11 : index
    %swap3A_180 = arith.constant 0 : index
    %swap3A_181 = vector.load %arg3[%swap3A_178, %swap3A_179, %swap3A_180] : memref<1x128x3968xf32, #tpu.memory_space<vmem>>, vector<1x1x3968xf32>
    %swap3A_182 = vector.shape_cast %swap3A_181 : vector<1x1x3968xf32> to vector<3968xf32>
    %swap3A_183 = vector.shape_cast %squeeze3A_177 : vector<3968xf32> to vector<1x1x3968xf32>
    tpu.vector_store %arg3[%swap3A_178, %swap3A_179, %swap3A_180], %swap3A_183 {strides = array<i32>} : memref<1x128x3968xf32, #tpu.memory_space<vmem>>, vector<1x1x3968xf32>,
    %slice3A_184 = vector.extract_strided_slice %dot_general3A_90 {offsets = [0, 115], sizes = [1, 3968], strides = [1, 1]} : vector<1x4096xf32> to vector<1x3968xf32>
    %squeeze3A_185 = vector.shape_cast %slice3A_184 : vector<1x3968xf32> to vector<3968xf32>
    %swap3A_186 = arith.constant 0 : index
    %swap3A_187 = arith.constant 12 : index
    %swap3A_188 = arith.constant 0 : index
    %swap3A_189 = vector.load %arg3[%swap3A_186, %swap3A_187, %swap3A_188] : memref<1x128x3968xf32, #tpu.memory_space<vmem>>, vector<1x1x3968xf32>
    %swap3A_190 = vector.shape_cast %swap3A_189 : vector<1x1x3968xf32> to vector<3968xf32>
    %swap3A_191 = vector.shape_cast %squeeze3A_185 : vector<3968xf32> to vector<1x1x3968xf32>
    tpu.vector_store %arg3[%swap3A_186, %swap3A_187, %swap3A_188], %swap3A_191 {strides = array<i32>} : memref<1x128x3968xf32, #tpu.memory_space<vmem>>, vector<1x1x3968xf32>,
    %slice3A_192 = vector.extract_strided_slice %dot_general3A_90 {offsets = [0, 114], sizes = [1, 3968], strides = [1, 1]} : vector<1x4096xf32> to vector<1x3968xf32>
    %squeeze3A_193 = vector.shape_cast %slice3A_192 : vector<1x3968xf32> to vector<3968xf32>
    %swap3A_194 = arith.constant 0 : index
    %swap3A_195 = arith.constant 13 : index
    %swap3A_196 = arith.constant 0 : index
    %swap3A_197 = vector.load %arg3[%swap3A_194, %swap3A_195, %swap3A_196] : memref<1x128x3968xf32, #tpu.memory_space<vmem>>, vector<1x1x3968xf32>
    %swap3A_198 = vector.shape_cast %swap3A_197 : vector<1x1x3968xf32> to vector<3968xf32>
    %swap3A_199 = vector.shape_cast %squeeze3A_193 : vector<3968xf32> to vector<1x1x3968xf32>
    tpu.vector_store %arg3[%swap3A_194, %swap3A_195, %swap3A_196], %swap3A_199 {strides = array<i32>} : memref<1x128x3968xf32, #tpu.memory_space<vmem>>, vector<1x1x3968xf32>,
    %slice3A_200 = vector.extract_strided_slice %dot_general3A_90 {offsets = [0, 113], sizes = [1, 3968], strides = [1, 1]} : vector<1x4096xf32> to vector<1x3968xf32>
    %squeeze3A_201 = vector.shape_cast %slice3A_200 : vector<1x3968xf32> to vector<3968xf32>
    %swap3A_202 = arith.constant 0 : index
    %swap3A_203 = arith.constant 14 : index
    %swap3A_204 = arith.constant 0 : index
    %swap3A_205 = vector.load %arg3[%swap3A_202, %swap3A_203, %swap3A_204] : memref<1x128x3968xf32, #tpu.memory_space<vmem>>, vector<1x1x3968xf32>
    %swap3A_206 = vector.shape_cast %swap3A_205 : vector<1x1x3968xf32> to vector<3968xf32>
    %swap3A_207 = vector.shape_cast %squeeze3A_201 : vector<3968xf32> to vector<1x1x3968xf32>
    tpu.vector_store %arg3[%swap3A_202, %swap3A_203, %swap3A_204], %swap3A_207 {strides = array<i32>} : memref<1x128x3968xf32, #tpu.memory_space<vmem>>, vector<1x1x3968xf32>,
    %slice3A_208 = vector.extract_strided_slice %dot_general3A_90 {offsets = [0, 112], sizes = [1, 3968], strides = [1, 1]} : vector<1x4096xf32> to vector<1x3968xf32>
    %squeeze3A_209 = vector.shape_cast %slice3A_208 : vector<1x3968xf32> to vector<3968xf32>
    %swap3A_210 = arith.constant 0 : index
    %swap3A_211 = arith.constant 15 : index
    %swap3A_212 = arith.constant 0 : index
    %swap3A_213 = vector.load %arg3[%swap3A_210, %swap3A_211, %swap3A_212] : memref<1x128x3968xf32, #tpu.memory_space<vmem>>, vector<1x1x3968xf32>
    %swap3A_214 = vector.shape_cast %swap3A_213 : vector<1x1x3968xf32> to vector<3968xf32>
    %swap3A_215 = vector.shape_cast %squeeze3A_209 : vector<3968xf32> to vector<1x1x3968xf32>
    tpu.vector_store %arg3[%swap3A_210, %swap3A_211, %swap3A_212], %swap3A_215 {strides = array<i32>} : memref<1x128x3968xf32, #tpu.memory_space<vmem>>, vector<1x1x3968xf32>,
    %slice3A_216 = vector.extract_strided_slice %dot_general3A_90 {offsets = [0, 111], sizes = [1, 3968], strides = [1, 1]} : vector<1x4096xf32> to vector<1x3968xf32>
    %squeeze3A_217 = vector.shape_cast %slice3A_216 : vector<1x3968xf32> to vector<3968xf32>
    %swap3A_218 = arith.constant 0 : index
    %swap3A_219 = arith.constant 16 : index
    %swap3A_220 = arith.constant 0 : index
    %swap3A_221 = vector.load %arg3[%swap3A_218, %swap3A_219, %swap3A_220] : memref<1x128x3968xf32, #tpu.memory_space<vmem>>, vector<1x1x3968xf32>
    %swap3A_222 = vector.shape_cast %swap3A_221 : vector<1x1x3968xf32> to vector<3968xf32>
    %swap3A_223 = vector.shape_cast %squeeze3A_217 : vector<3968xf32> to vector<1x1x3968xf32>
    tpu.vector_store %arg3[%swap3A_218, %swap3A_219, %swap3A_220], %swap3A_223 {strides = array<i32>} : memref<1x128x3968xf32, #tpu.memory_space<vmem>>, vector<1x1x3968xf32>,
    %slice3A_224 = vector.extract_strided_slice %dot_general3A_90 {offsets = [0, 110], sizes = [1, 3968], strides = [1, 1]} : vector<1x4096xf32> to vector<1x3968xf32>
    %squeeze3A_225 = vector.shape_cast %slice3A_224 : vector<1x3968xf32> to vector<3968xf32>
    %swap3A_226 = arith.constant 0 : index
    %swap3A_227 = arith.constant 17 : index
    %swap3A_228 = arith.constant 0 : index
    %swap3A_229 = vector.load %arg3[%swap3A_226, %swap3A_227, %swap3A_228] : memref<1x128x3968xf32, #tpu.memory_space<vmem>>, vector<1x1x3968xf32>
    %swap3A_230 = vector.shape_cast %swap3A_229 : vector<1x1x3968xf32> to vector<3968xf32>
    %swap3A_231 = vector.shape_cast %squeeze3A_225 : vector<3968xf32> to vector<1x1x3968xf32>
    tpu.vector_store %arg3[%swap3A_226, %swap3A_227, %swap3A_228], %swap3A_231 {strides = array<i32>} : memref<1x128x3968xf32, #tpu.memory_space<vmem>>, vector<1x1x3968xf32>,
    %slice3A_232 = vector.extract_strided_slice %dot_general3A_90 {offsets = [0, 109], sizes = [1, 3968], strides = [1, 1]} : vector<1x4096xf32> to vector<1x3968xf32>
    %squeeze3A_233 = vector.shape_cast %slice3A_232 : vector<1x3968xf32> to vector<3968xf32>
    %swap3A_234 = arith.constant 0 : index
    %swap3A_235 = arith.constant 18 : index
    %swap3A_236 = arith.constant 0 : index
    %swap3A_237 = vector.load %arg3[%swap3A_234, %swap3A_235, %swap3A_236] : memref<1x128x3968xf32, #tpu.memory_space<vmem>>, vector<1x1x3968xf32>
    %swap3A_238 = vector.shape_cast %swap3A_237 : vector<1x1x3968xf32> to vector<3968xf32>
    %swap3A_239 = vector.shape_cast %squeeze3A_233 : vector<3968xf32> to vector<1x1x3968xf32>
    tpu.vector_store %arg3[%swap3A_234, %swap3A_235, %swap3A_236], %swap3A_239 {strides = array<i32>} : memref<1x128x3968xf32, #tpu.memory_space<vmem>>, vector<1x1x3968xf32>,
    %slice3A_240 = vector.extract_strided_slice %dot_general3A_90 {offsets = [0, 108], sizes = [1, 3968], strides = [1, 1]} : vector<1x4096xf32> to vector<1x3968xf32>
    %squeeze3A_241 = vector.shape_cast %slice3A_240 : vector<1x3968xf32> to vector<3968xf32>
    %swap3A_242 = arith.constant 0 : index
    %swap3A_243 = arith.constant 19 : index
    %swap3A_244 = arith.constant 0 : index
    %swap3A_245 = vector.load %arg3[%swap3A_242, %swap3A_243, %swap3A_244] : memref<1x128x3968xf32, #tpu.memory_space<vmem>>, vector<1x1x3968xf32>
    %swap3A_246 = vector.shape_cast %swap3A_245 : vector<1x1x3968xf32> to vector<3968xf32>
    %swap3A_247 = vector.shape_cast %squeeze3A_241 : vector<3968xf32> to vector<1x1x3968xf32>
    tpu.vector_store %arg3[%swap3A_242, %swap3A_243, %swap3A_244], %swap3A_247 {strides = array<i32>} : memref<1x128x3968xf32, #tpu.memory_space<vmem>>, vector<1x1x3968xf32>,
    %slice3A_248 = vector.extract_strided_slice %dot_general3A_90 {offsets = [0, 107], sizes = [1, 3968], strides = [1, 1]} : vector<1x4096xf32> to vector<1x3968xf32>
    %squeeze3A_249 = vector.shape_cast %slice3A_248 : vector<1x3968xf32> to vector<3968xf32>
    %swap3A_250 = arith.constant 0 : index
    %swap3A_251 = arith.constant 20 : index
    %swap3A_252 = arith.constant 0 : index
    %swap3A_253 = vector.load %arg3[%swap3A_250, %swap3A_251, %swap3A_252] : memref<1x128x3968xf32, #tpu.memory_space<vmem>>, vector<1x1x3968xf32>
    %swap3A_254 = vector.shape_cast %swap3A_253 : vector<1x1x3968xf32> to vector<3968xf32>
    %swap3A_255 = vector.shape_cast %squeeze3A_249 : vector<3968xf32> to vector<1x1x3968xf32>
    tpu.vector_store %arg3[%swap3A_250, %swap3A_251, %swap3A_252], %swap3A_255 {strides = array<i32>} : memref<1x128x3968xf32, #tpu.memory_space<vmem>>, vector<1x1x3968xf32>,
    %slice3A_256 = vector.extract_strided_slice %dot_general3A_90 {offsets = [0, 106], sizes = [1, 3968], strides = [1, 1]} : vector<1x4096xf32> to vector<1x3968xf32>
    %squeeze3A_257 = vector.shape_cast %slice3A_256 : vector<1x3968xf32> to vector<3968xf32>
    %swap3A_258 = arith.constant 0 : index
    %swap3A_259 = arith.constant 21 : index
    %swap3A_260 = arith.constant 0 : index
    %swap3A_261 = vector.load %arg3[%swap3A_258, %swap3A_259, %swap3A_260] : memref<1x128x3968xf32, #tpu.memory_space<vmem>>, vector<1x1x3968xf32>
    %swap3A_262 = vector.shape_cast %swap3A_261 : vector<1x1x3968xf32> to vector<3968xf32>
    %swap3A_263 = vector.shape_cast %squeeze3A_257 : vector<3968xf32> to vector<1x1x3968xf32>
    tpu.vector_store %arg3[%swap3A_258, %swap3A_259, %swap3A_260], %swap3A_263 {strides = array<i32>} : memref<1x128x3968xf32, #tpu.memory_space<vmem>>, vector<1x1x3968xf32>,
    %slice3A_264 = vector.extract_strided_slice %dot_general3A_90 {offsets = [0, 105], sizes = [1, 3968], strides = [1, 1]} : vector<1x4096xf32> to vector<1x3968xf32>
    %squeeze3A_265 = vector.shape_cast %slice3A_264 : vector<1x3968xf32> to vector<3968xf32>
    %swap3A_266 = arith.constant 0 : index
    %swap3A_267 = arith.constant 22 : index
    %swap3A_268 = arith.constant 0 : index
    %swap3A_269 = vector.load %arg3[%swap3A_266, %swap3A_267, %swap3A_268] : memref<1x128x3968xf32, #tpu.memory_space<vmem>>, vector<1x1x3968xf32>
    %swap3A_270 = vector.shape_cast %swap3A_269 : vector<1x1x3968xf32> to vector<3968xf32>
    %swap3A_271 = vector.shape_cast %squeeze3A_265 : vector<3968xf32> to vector<1x1x3968xf32>
    tpu.vector_store %arg3[%swap3A_266, %swap3A_267, %swap3A_268], %swap3A_271 {strides = array<i32>} : memref<1x128x3968xf32, #tpu.memory_space<vmem>>, vector<1x1x3968xf32>,
    %slice3A_272 = vector.extract_strided_slice %dot_general3A_90 {offsets = [0, 104], sizes = [1, 3968], strides = [1, 1]} : vector<1x4096xf32> to vector<1x3968xf32>
    %squeeze3A_273 = vector.shape_cast %slice3A_272 : vector<1x3968xf32> to vector<3968xf32>
    %swap3A_274 = arith.constant 0 : index
    %swap3A_275 = arith.constant 23 : index
    %swap3A_276 = arith.constant 0 : index
    %swap3A_277 = vector.load %arg3[%swap3A_274, %swap3A_275, %swap3A_276] : memref<1x128x3968xf32, #tpu.memory_space<vmem>>, vector<1x1x3968xf32>
    %swap3A_278 = vector.shape_cast %swap3A_277 : vector<1x1x3968xf32> to vector<3968xf32>
    %swap3A_279 = vector.shape_cast %squeeze3A_273 : vector<3968xf32> to vector<1x1x3968xf32>
    tpu.vector_store %arg3[%swap3A_274, %swap3A_275, %swap3A_276], %swap3A_279 {strides = array<i32>} : memref<1x128x3968xf32, #tpu.memory_space<vmem>>, vector<1x1x3968xf32>,
    %slice3A_280 = vector.extract_strided_slice %dot_general3A_90 {offsets = [0, 103], sizes = [1, 3968], strides = [1, 1]} : vector<1x4096xf32> to vector<1x3968xf32>
    %squeeze3A_281 = vector.shape_cast %slice3A_280 : vector<1x3968xf32> to vector<3968xf32>
    %swap3A_282 = arith.constant 0 : index
    %swap3A_283 = arith.constant 24 : index
    %swap3A_284 = arith.constant 0 : index
    %swap3A_285 = vector.load %arg3[%swap3A_282, %swap3A_283, %swap3A_284] : memref<1x128x3968xf32, #tpu.memory_space<vmem>>, vector<1x1x3968xf32>
    %swap3A_286 = vector.shape_cast %swap3A_285 : vector<1x1x3968xf32> to vector<3968xf32>
    %swap3A_287 = vector.shape_cast %squeeze3A_281 : vector<3968xf32> to vector<1x1x3968xf32>
    tpu.vector_store %arg3[%swap3A_282, %swap3A_283, %swap3A_284], %swap3A_287 {strides = array<i32>} : memref<1x128x3968xf32, #tpu.memory_space<vmem>>, vector<1x1x3968xf32>,
    %slice3A_288 = vector.extract_strided_slice %dot_general3A_90 {offsets = [0, 102], sizes = [1, 3968], strides = [1, 1]} : vector<1x4096xf32> to vector<1x3968xf32>
    %squeeze3A_289 = vector.shape_cast %slice3A_288 : vector<1x3968xf32> to vector<3968xf32>
    %swap3A_290 = arith.constant 0 : index
    %swap3A_291 = arith.constant 25 : index
    %swap3A_292 = arith.constant 0 : index
    %swap3A_293 = vector.load %arg3[%swap3A_290, %swap3A_291, %swap3A_292] : memref<1x128x3968xf32, #tpu.memory_space<vmem>>, vector<1x1x3968xf32>
    %swap3A_294 = vector.shape_cast %swap3A_293 : vector<1x1x3968xf32> to vector<3968xf32>
    %swap3A_295 = vector.shape_cast %squeeze3A_289 : vector<3968xf32> to vector<1x1x3968xf32>
    tpu.vector_store %arg3[%swap3A_290, %swap3A_291, %swap3A_292], %swap3A_295 {strides = array<i32>} : memref<1x128x3968xf32, #tpu.memory_space<vmem>>, vector<1x1x3968xf32>,
    %slice3A_296 = vector.extract_strided_slice %dot_general3A_90 {offsets = [0, 101], sizes = [1, 3968], strides = [1, 1]} : vector<1x4096xf32> to vector<1x3968xf32>
    %squeeze3A_297 = vector.shape_cast %slice3A_296 : vector<1x3968xf32> to vector<3968xf32>
    %swap3A_298 = arith.constant 0 : index
    %swap3A_299 = arith.constant 26 : index
    %swap3A_300 = arith.constant 0 : index
    %swap3A_301 = vector.load %arg3[%swap3A_298, %swap3A_299, %swap3A_300] : memref<1x128x3968xf32, #tpu.memory_space<vmem>>, vector<1x1x3968xf32>
    %swap3A_302 = vector.shape_cast %swap3A_301 : vector<1x1x3968xf32> to vector<3968xf32>
    %swap3A_303 = vector.shape_cast %squeeze3A_297 : vector<3968xf32> to vector<1x1x3968xf32>
    tpu.vector_store %arg3[%swap3A_298, %swap3A_299, %swap3A_300], %swap3A_303 {strides = array<i32>} : memref<1x128x3968xf32, #tpu.memory_space<vmem>>, vector<1x1x3968xf32>,
    %slice3A_304 = vector.extract_strided_slice %dot_general3A_90 {offsets = [0, 100], sizes = [1, 3968], strides = [1, 1]} : vector<1x4096xf32> to vector<1x3968xf32>
    %squeeze3A_305 = vector.shape_cast %slice3A_304 : vector<1x3968xf32> to vector<3968xf32>
    %swap3A_306 = arith.constant 0 : index
    %swap3A_307 = arith.constant 27 : index
    %swap3A_308 = arith.constant 0 : index
    %swap3A_309 = vector.load %arg3[%swap3A_306, %swap3A_307, %swap3A_308] : memref<1x128x3968xf32, #tpu.memory_space<vmem>>, vector<1x1x3968xf32>
    %swap3A_310 = vector.shape_cast %swap3A_309 : vector<1x1x3968xf32> to vector<3968xf32>
    %swap3A_311 = vector.shape_cast %squeeze3A_305 : vector<3968xf32> to vector<1x1x3968xf32>
    tpu.vector_store %arg3[%swap3A_306, %swap3A_307, %swap3A_308], %swap3A_311 {strides = array<i32>} : memref<1x128x3968xf32, #tpu.memory_space<vmem>>, vector<1x1x3968xf32>,
    %slice3A_312 = vector.extract_strided_slice %dot_general3A_90 {offsets = [0, 99], sizes = [1, 3968], strides = [1, 1]} : vector<1x4096xf32> to vector<1x3968xf32>
    %squeeze3A_313 = vector.shape_cast %slice3A_312 : vector<1x3968xf32> to vector<3968xf32>
    %swap3A_314 = arith.constant 0 : index
    %swap3A_315 = arith.constant 28 : index
    %swap3A_316 = arith.constant 0 : index
    %swap3A_317 = vector.load %arg3[%swap3A_314, %swap3A_315, %swap3A_316] : memref<1x128x3968xf32, #tpu.memory_space<vmem>>, vector<1x1x3968xf32>
    %swap3A_318 = vector.shape_cast %swap3A_317 : vector<1x1x3968xf32> to vector<3968xf32>
    %swap3A_319 = vector.shape_cast %squeeze3A_313 : vector<3968xf32> to vector<1x1x3968xf32>
    tpu.vector_store %arg3[%swap3A_314, %swap3A_315, %swap3A_316], %swap3A_319 {strides = array<i32>} : memref<1x128x3968xf32, #tpu.memory_space<vmem>>, vector<1x1x3968xf32>,
    %slice3A_320 = vector.extract_strided_slice %dot_general3A_90 {offsets = [0, 98], sizes = [1, 3968], strides = [1, 1]} : vector<1x4096xf32> to vector<1x3968xf32>
    %squeeze3A_321 = vector.shape_cast %slice3A_320 : vector<1x3968xf32> to vector<3968xf32>
    %swap3A_322 = arith.constant 0 : index
    %swap3A_323 = arith.constant 29 : index
    %swap3A_324 = arith.constant 0 : index
    %swap3A_325 = vector.load %arg3[%swap3A_322, %swap3A_323, %swap3A_324] : memref<1x128x3968xf32, #tpu.memory_space<vmem>>, vector<1x1x3968xf32>
    %swap3A_326 = vector.shape_cast %swap3A_325 : vector<1x1x3968xf32> to vector<3968xf32>
    %swap3A_327 = vector.shape_cast %squeeze3A_321 : vector<3968xf32> to vector<1x1x3968xf32>
    tpu.vector_store %arg3[%swap3A_322, %swap3A_323, %swap3A_324], %swap3A_327 {strides = array<i32>} : memref<1x128x3968xf32, #tpu.memory_space<vmem>>, vector<1x1x3968xf32>,
    %slice3A_328 = vector.extract_strided_slice %dot_general3A_90 {offsets = [0, 97], sizes = [1, 3968], strides = [1, 1]} : vector<1x4096xf32> to vector<1x3968xf32>
    %squeeze3A_329 = vector.shape_cast %slice3A_328 : vector<1x3968xf32> to vector<3968xf32>
    %swap3A_330 = arith.constant 0 : index
    %swap3A_331 = arith.constant 30 : index
    %swap3A_332 = arith.constant 0 : index
    %swap3A_333 = vector.load %arg3[%swap3A_330, %swap3A_331, %swap3A_332] : memref<1x128x3968xf32, #tpu.memory_space<vmem>>, vector<1x1x3968xf32>
    %swap3A_334 = vector.shape_cast %swap3A_333 : vector<1x1x3968xf32> to vector<3968xf32>
    %swap3A_335 = vector.shape_cast %squeeze3A_329 : vector<3968xf32> to vector<1x1x3968xf32>
    tpu.vector_store %arg3[%swap3A_330, %swap3A_331, %swap3A_332], %swap3A_335 {strides = array<i32>} : memref<1x128x3968xf32, #tpu.memory_space<vmem>>, vector<1x1x3968xf32>,
    %slice3A_336 = vector.extract_strided_slice %dot_general3A_90 {offsets = [0, 96], sizes = [1, 3968], strides = [1, 1]} : vector<1x4096xf32> to vector<1x3968xf32>
    %squeeze3A_337 = vector.shape_cast %slice3A_336 : vector<1x3968xf32> to vector<3968xf32>
    %swap3A_338 = arith.constant 0 : index
    %swap3A_339 = arith.constant 31 : index
    %swap3A_340 = arith.constant 0 : index
    %swap3A_341 = vector.load %arg3[%swap3A_338, %swap3A_339, %swap3A_340] : memref<1x128x3968xf32, #tpu.memory_space<vmem>>, vector<1x1x3968xf32>
    %swap3A_342 = vector.shape_cast %swap3A_341 : vector<1x1x3968xf32> to vector<3968xf32>
    %swap3A_343 = vector.shape_cast %squeeze3A_337 : vector<3968xf32> to vector<1x1x3968xf32>
    tpu.vector_store %arg3[%swap3A_338, %swap3A_339, %swap3A_340], %swap3A_343 {strides = array<i32>} : memref<1x128x3968xf32, #tpu.memory_space<vmem>>, vector<1x1x3968xf32>,
    %slice3A_344 = vector.extract_strided_slice %dot_general3A_90 {offsets = [0, 95], sizes = [1, 3968], strides = [1, 1]} : vector<1x4096xf32> to vector<1x3968xf32>
    %squeeze3A_345 = vector.shape_cast %slice3A_344 : vector<1x3968xf32> to vector<3968xf32>
    %swap3A_346 = arith.constant 0 : index
    %swap3A_347 = arith.constant 32 : index
    %swap3A_348 = arith.constant 0 : index
    %swap3A_349 = vector.load %arg3[%swap3A_346, %swap3A_347, %swap3A_348] : memref<1x128x3968xf32, #tpu.memory_space<vmem>>, vector<1x1x3968xf32>
    %swap3A_350 = vector.shape_cast %swap3A_349 : vector<1x1x3968xf32> to vector<3968xf32>
    %swap3A_351 = vector.shape_cast %squeeze3A_345 : vector<3968xf32> to vector<1x1x3968xf32>
    tpu.vector_store %arg3[%swap3A_346, %swap3A_347, %swap3A_348], %swap3A_351 {strides = array<i32>} : memref<1x128x3968xf32, #tpu.memory_space<vmem>>, vector<1x1x3968xf32>,
    %slice3A_352 = vector.extract_strided_slice %dot_general3A_90 {offsets = [0, 94], sizes = [1, 3968], strides = [1, 1]} : vector<1x4096xf32> to vector<1x3968xf32>
    %squeeze3A_353 = vector.shape_cast %slice3A_352 : vector<1x3968xf32> to vector<3968xf32>
    %swap3A_354 = arith.constant 0 : index
    %swap3A_355 = arith.constant 33 : index
    %swap3A_356 = arith.constant 0 : index
    %swap3A_357 = vector.load %arg3[%swap3A_354, %swap3A_355, %swap3A_356] : memref<1x128x3968xf32, #tpu.memory_space<vmem>>, vector<1x1x3968xf32>
    %swap3A_358 = vector.shape_cast %swap3A_357 : vector<1x1x3968xf32> to vector<3968xf32>
    %swap3A_359 = vector.shape_cast %squeeze3A_353 : vector<3968xf32> to vector<1x1x3968xf32>
    tpu.vector_store %arg3[%swap3A_354, %swap3A_355, %swap3A_356], %swap3A_359 {strides = array<i32>} : memref<1x128x3968xf32, #tpu.memory_space<vmem>>, vector<1x1x3968xf32>,
    %slice3A_360 = vector.extract_strided_slice %dot_general3A_90 {offsets = [0, 93], sizes = [1, 3968], strides = [1, 1]} : vector<1x4096xf32> to vector<1x3968xf32>
    %squeeze3A_361 = vector.shape_cast %slice3A_360 : vector<1x3968xf32> to vector<3968xf32>
    %swap3A_362 = arith.constant 0 : index
    %swap3A_363 = arith.constant 34 : index
    %swap3A_364 = arith.constant 0 : index
    %swap3A_365 = vector.load %arg3[%swap3A_362, %swap3A_363, %swap3A_364] : memref<1x128x3968xf32, #tpu.memory_space<vmem>>, vector<1x1x3968xf32>
    %swap3A_366 = vector.shape_cast %swap3A_365 : vector<1x1x3968xf32> to vector<3968xf32>
    %swap3A_367 = vector.shape_cast %squeeze3A_361 : vector<3968xf32> to vector<1x1x3968xf32>
    tpu.vector_store %arg3[%swap3A_362, %swap3A_363, %swap3A_364], %swap3A_367 {strides = array<i32>} : memref<1x128x3968xf32, #tpu.memory_space<vmem>>, vector<1x1x3968xf32>,
    %slice3A_368 = vector.extract_strided_slice %dot_general3A_90 {offsets = [0, 92], sizes = [1, 3968], strides = [1, 1]} : vector<1x4096xf32> to vector<1x3968xf32>
    %squeeze3A_369 = vector.shape_cast %slice3A_368 : vector<1x3968xf32> to vector<3968xf32>
    %swap3A_370 = arith.constant 0 : index
    %swap3A_371 = arith.constant 35 : index
    %swap3A_372 = arith.constant 0 : index
    %swap3A_373 = vector.load %arg3[%swap3A_370, %swap3A_371, %swap3A_372] : memref<1x128x3968xf32, #tpu.memory_space<vmem>>, vector<1x1x3968xf32>
    %swap3A_374 = vector.shape_cast %swap3A_373 : vector<1x1x3968xf32> to vector<3968xf32>
    %swap3A_375 = vector.shape_cast %squeeze3A_369 : vector<3968xf32> to vector<1x1x3968xf32>
    tpu.vector_store %arg3[%swap3A_370, %swap3A_371, %swap3A_372], %swap3A_375 {strides = array<i32>} : memref<1x128x3968xf32, #tpu.memory_space<vmem>>, vector<1x1x3968xf32>,
    %slice3A_376 = vector.extract_strided_slice %dot_general3A_90 {offsets = [0, 91], sizes = [1, 3968], strides = [1, 1]} : vector<1x4096xf32> to vector<1x3968xf32>
    %squeeze3A_377 = vector.shape_cast %slice3A_376 : vector<1x3968xf32> to vector<3968xf32>
    %swap3A_378 = arith.constant 0 : index
    %swap3A_379 = arith.constant 36 : index
    %swap3A_380 = arith.constant 0 : index
    %swap3A_381 = vector.load %arg3[%swap3A_378, %swap3A_379, %swap3A_380] : memref<1x128x3968xf32, #tpu.memory_space<vmem>>, vector<1x1x3968xf32>
    %swap3A_382 = vector.shape_cast %swap3A_381 : vector<1x1x3968xf32> to vector<3968xf32>
    %swap3A_383 = vector.shape_cast %squeeze3A_377 : vector<3968xf32> to vector<1x1x3968xf32>
    tpu.vector_store %arg3[%swap3A_378, %swap3A_379, %swap3A_380], %swap3A_383 {strides = array<i32>} : memref<1x128x3968xf32, #tpu.memory_space<vmem>>, vector<1x1x3968xf32>,
    %slice3A_384 = vector.extract_strided_slice %dot_general3A_90 {offsets = [0, 90], sizes = [1, 3968], strides = [1, 1]} : vector<1x4096xf32> to vector<1x3968xf32>
    %squeeze3A_385 = vector.shape_cast %slice3A_384 : vector<1x3968xf32> to vector<3968xf32>
    %swap3A_386 = arith.constant 0 : index
    %swap3A_387 = arith.constant 37 : index
    %swap3A_388 = arith.constant 0 : index
    %swap3A_389 = vector.load %arg3[%swap3A_386, %swap3A_387, %swap3A_388] : memref<1x128x3968xf32, #tpu.memory_space<vmem>>, vector<1x1x3968xf32>
    %swap3A_390 = vector.shape_cast %swap3A_389 : vector<1x1x3968xf32> to vector<3968xf32>
    %swap3A_391 = vector.shape_cast %squeeze3A_385 : vector<3968xf32> to vector<1x1x3968xf32>
    tpu.vector_store %arg3[%swap3A_386, %swap3A_387, %swap3A_388], %swap3A_391 {strides = array<i32>} : memref<1x128x3968xf32, #tpu.memory_space<vmem>>, vector<1x1x3968xf32>,
    %slice3A_392 = vector.extract_strided_slice %dot_general3A_90 {offsets = [0, 89], sizes = [1, 3968], strides = [1, 1]} : vector<1x4096xf32> to vector<1x3968xf32>
    %squeeze3A_393 = vector.shape_cast %slice3A_392 : vector<1x3968xf32> to vector<3968xf32>
    %swap3A_394 = arith.constant 0 : index
    %swap3A_395 = arith.constant 38 : index
    %swap3A_396 = arith.constant 0 : index
    %swap3A_397 = vector.load %arg3[%swap3A_394, %swap3A_395, %swap3A_396] : memref<1x128x3968xf32, #tpu.memory_space<vmem>>, vector<1x1x3968xf32>
    %swap3A_398 = vector.shape_cast %swap3A_397 : vector<1x1x3968xf32> to vector<3968xf32>
    %swap3A_399 = vector.shape_cast %squeeze3A_393 : vector<3968xf32> to vector<1x1x3968xf32>
    tpu.vector_store %arg3[%swap3A_394, %swap3A_395, %swap3A_396], %swap3A_399 {strides = array<i32>} : memref<1x128x3968xf32, #tpu.memory_space<vmem>>, vector<1x1x3968xf32>,
    %slice3A_400 = vector.extract_strided_slice %dot_general3A_90 {offsets = [0, 88], sizes = [1, 3968], strides = [1, 1]} : vector<1x4096xf32> to vector<1x3968xf32>
    %squeeze3A_401 = vector.shape_cast %slice3A_400 : vector<1x3968xf32> to vector<3968xf32>
    %swap3A_402 = arith.constant 0 : index
    %swap3A_403 = arith.constant 39 : index
    %swap3A_404 = arith.constant 0 : index
    %swap3A_405 = vector.load %arg3[%swap3A_402, %swap3A_403, %swap3A_404] : memref<1x128x3968xf32, #tpu.memory_space<vmem>>, vector<1x1x3968xf32>
    %swap3A_406 = vector.shape_cast %swap3A_405 : vector<1x1x3968xf32> to vector<3968xf32>
    %swap3A_407 = vector.shape_cast %squeeze3A_401 : vector<3968xf32> to vector<1x1x3968xf32>
    tpu.vector_store %arg3[%swap3A_402, %swap3A_403, %swap3A_404], %swap3A_407 {strides = array<i32>} : memref<1x128x3968xf32, #tpu.memory_space<vmem>>, vector<1x1x3968xf32>,
    %slice3A_408 = vector.extract_strided_slice %dot_general3A_90 {offsets = [0, 87], sizes = [1, 3968], strides = [1, 1]} : vector<1x4096xf32> to vector<1x3968xf32>
    %squeeze3A_409 = vector.shape_cast %slice3A_408 : vector<1x3968xf32> to vector<3968xf32>
    %swap3A_410 = arith.constant 0 : index
    %swap3A_411 = arith.constant 40 : index
    %swap3A_412 = arith.constant 0 : index
    %swap3A_413 = vector.load %arg3[%swap3A_410, %swap3A_411, %swap3A_412] : memref<1x128x3968xf32, #tpu.memory_space<vmem>>, vector<1x1x3968xf32>
    %swap3A_414 = vector.shape_cast %swap3A_413 : vector<1x1x3968xf32> to vector<3968xf32>
    %swap3A_415 = vector.shape_cast %squeeze3A_409 : vector<3968xf32> to vector<1x1x3968xf32>
    tpu.vector_store %arg3[%swap3A_410, %swap3A_411, %swap3A_412], %swap3A_415 {strides = array<i32>} : memref<1x128x3968xf32, #tpu.memory_space<vmem>>, vector<1x1x3968xf32>,
    %slice3A_416 = vector.extract_strided_slice %dot_general3A_90 {offsets = [0, 86], sizes = [1, 3968], strides = [1, 1]} : vector<1x4096xf32> to vector<1x3968xf32>
    %squeeze3A_417 = vector.shape_cast %slice3A_416 : vector<1x3968xf32> to vector<3968xf32>
    %swap3A_418 = arith.constant 0 : index
    %swap3A_419 = arith.constant 41 : index
    %swap3A_420 = arith.constant 0 : index
    %swap3A_421 = vector.load %arg3[%swap3A_418, %swap3A_419, %swap3A_420] : memref<1x128x3968xf32, #tpu.memory_space<vmem>>, vector<1x1x3968xf32>
    %swap3A_422 = vector.shape_cast %swap3A_421 : vector<1x1x3968xf32> to vector<3968xf32>
    %swap3A_423 = vector.shape_cast %squeeze3A_417 : vector<3968xf32> to vector<1x1x3968xf32>
    tpu.vector_store %arg3[%swap3A_418, %swap3A_419, %swap3A_420], %swap3A_423 {strides = array<i32>} : memref<1x128x3968xf32, #tpu.memory_space<vmem>>, vector<1x1x3968xf32>,
    %slice3A_424 = vector.extract_strided_slice %dot_general3A_90 {offsets = [0, 85], sizes = [1, 3968], strides = [1, 1]} : vector<1x4096xf32> to vector<1x3968xf32>
    %squeeze3A_425 = vector.shape_cast %slice3A_424 : vector<1x3968xf32> to vector<3968xf32>
    %swap3A_426 = arith.constant 0 : index
    %swap3A_427 = arith.constant 42 : index
    %swap3A_428 = arith.constant 0 : index
    %swap3A_429 = vector.load %arg3[%swap3A_426, %swap3A_427, %swap3A_428] : memref<1x128x3968xf32, #tpu.memory_space<vmem>>, vector<1x1x3968xf32>
    %swap3A_430 = vector.shape_cast %swap3A_429 : vector<1x1x3968xf32> to vector<3968xf32>
    %swap3A_431 = vector.shape_cast %squeeze3A_425 : vector<3968xf32> to vector<1x1x3968xf32>
    tpu.vector_store %arg3[%swap3A_426, %swap3A_427, %swap3A_428], %swap3A_431 {strides = array<i32>} : memref<1x128x3968xf32, #tpu.memory_space<vmem>>, vector<1x1x3968xf32>,
    %slice3A_432 = vector.extract_strided_slice %dot_general3A_90 {offsets = [0, 84], sizes = [1, 3968], strides = [1, 1]} : vector<1x4096xf32> to vector<1x3968xf32>
    %squeeze3A_433 = vector.shape_cast %slice3A_432 : vector<1x3968xf32> to vector<3968xf32>
    %swap3A_434 = arith.constant 0 : index
    %swap3A_435 = arith.constant 43 : index
    %swap3A_436 = arith.constant 0 : index
    %swap3A_437 = vector.load %arg3[%swap3A_434, %swap3A_435, %swap3A_436] : memref<1x128x3968xf32, #tpu.memory_space<vmem>>, vector<1x1x3968xf32>
    %swap3A_438 = vector.shape_cast %swap3A_437 : vector<1x1x3968xf32> to vector<3968xf32>
    %swap3A_439 = vector.shape_cast %squeeze3A_433 : vector<3968xf32> to vector<1x1x3968xf32>
    tpu.vector_store %arg3[%swap3A_434, %swap3A_435, %swap3A_436], %swap3A_439 {strides = array<i32>} : memref<1x128x3968xf32, #tpu.memory_space<vmem>>, vector<1x1x3968xf32>,
    %slice3A_440 = vector.extract_strided_slice %dot_general3A_90 {offsets = [0, 83], sizes = [1, 3968], strides = [1, 1]} : vector<1x4096xf32> to vector<1x3968xf32>
    %squeeze3A_441 = vector.shape_cast %slice3A_440 : vector<1x3968xf32> to vector<3968xf32>
    %swap3A_442 = arith.constant 0 : index
    %swap3A_443 = arith.constant 44 : index
    %swap3A_444 = arith.constant 0 : index
    %swap3A_445 = vector.load %arg3[%swap3A_442, %swap3A_443, %swap3A_444] : memref<1x128x3968xf32, #tpu.memory_space<vmem>>, vector<1x1x3968xf32>
    %swap3A_446 = vector.shape_cast %swap3A_445 : vector<1x1x3968xf32> to vector<3968xf32>
    %swap3A_447 = vector.shape_cast %squeeze3A_441 : vector<3968xf32> to vector<1x1x3968xf32>
    tpu.vector_store %arg3[%swap3A_442, %swap3A_443, %swap3A_444], %swap3A_447 {strides = array<i32>} : memref<1x128x3968xf32, #tpu.memory_space<vmem>>, vector<1x1x3968xf32>,
    %slice3A_448 = vector.extract_strided_slice %dot_general3A_90 {offsets = [0, 82], sizes = [1, 3968], strides = [1, 1]} : vector<1x4096xf32> to vector<1x3968xf32>
    %squeeze3A_449 = vector.shape_cast %slice3A_448 : vector<1x3968xf32> to vector<3968xf32>
    %swap3A_450 = arith.constant 0 : index
    %swap3A_451 = arith.constant 45 : index
    %swap3A_452 = arith.constant 0 : index
    %swap3A_453 = vector.load %arg3[%swap3A_450, %swap3A_451, %swap3A_452] : memref<1x128x3968xf32, #tpu.memory_space<vmem>>, vector<1x1x3968xf32>
    %swap3A_454 = vector.shape_cast %swap3A_453 : vector<1x1x3968xf32> to vector<3968xf32>
    %swap3A_455 = vector.shape_cast %squeeze3A_449 : vector<3968xf32> to vector<1x1x3968xf32>
    tpu.vector_store %arg3[%swap3A_450, %swap3A_451, %swap3A_452], %swap3A_455 {strides = array<i32>} : memref<1x128x3968xf32, #tpu.memory_space<vmem>>, vector<1x1x3968xf32>,
    %slice3A_456 = vector.extract_strided_slice %dot_general3A_90 {offsets = [0, 81], sizes = [1, 3968], strides = [1, 1]} : vector<1x4096xf32> to vector<1x3968xf32>
    %squeeze3A_457 = vector.shape_cast %slice3A_456 : vector<1x3968xf32> to vector<3968xf32>
    %swap3A_458 = arith.constant 0 : index
    %swap3A_459 = arith.constant 46 : index
    %swap3A_460 = arith.constant 0 : index
    %swap3A_461 = vector.load %arg3[%swap3A_458, %swap3A_459, %swap3A_460] : memref<1x128x3968xf32, #tpu.memory_space<vmem>>, vector<1x1x3968xf32>
    %swap3A_462 = vector.shape_cast %swap3A_461 : vector<1x1x3968xf32> to vector<3968xf32>
    %swap3A_463 = vector.shape_cast %squeeze3A_457 : vector<3968xf32> to vector<1x1x3968xf32>
    tpu.vector_store %arg3[%swap3A_458, %swap3A_459, %swap3A_460], %swap3A_463 {strides = array<i32>} : memref<1x128x3968xf32, #tpu.memory_space<vmem>>, vector<1x1x3968xf32>,
    %slice3A_464 = vector.extract_strided_slice %dot_general3A_90 {offsets = [0, 80], sizes = [1, 3968], strides = [1, 1]} : vector<1x4096xf32> to vector<1x3968xf32>
    %squeeze3A_465 = vector.shape_cast %slice3A_464 : vector<1x3968xf32> to vector<3968xf32>
    %swap3A_466 = arith.constant 0 : index
    %swap3A_467 = arith.constant 47 : index
    %swap3A_468 = arith.constant 0 : index
    %swap3A_469 = vector.load %arg3[%swap3A_466, %swap3A_467, %swap3A_468] : memref<1x128x3968xf32, #tpu.memory_space<vmem>>, vector<1x1x3968xf32>
    %swap3A_470 = vector.shape_cast %swap3A_469 : vector<1x1x3968xf32> to vector<3968xf32>
    %swap3A_471 = vector.shape_cast %squeeze3A_465 : vector<3968xf32> to vector<1x1x3968xf32>
    tpu.vector_store %arg3[%swap3A_466, %swap3A_467, %swap3A_468], %swap3A_471 {strides = array<i32>} : memref<1x128x3968xf32, #tpu.memory_space<vmem>>, vector<1x1x3968xf32>,
    %slice3A_472 = vector.extract_strided_slice %dot_general3A_90 {offsets = [0, 79], sizes = [1, 3968], strides = [1, 1]} : vector<1x4096xf32> to vector<1x3968xf32>
    %squeeze3A_473 = vector.shape_cast %slice3A_472 : vector<1x3968xf32> to vector<3968xf32>
    %swap3A_474 = arith.constant 0 : index
    %swap3A_475 = arith.constant 48 : index
    %swap3A_476 = arith.constant 0 : index
    %swap3A_477 = vector.load %arg3[%swap3A_474, %swap3A_475, %swap3A_476] : memref<1x128x3968xf32, #tpu.memory_space<vmem>>, vector<1x1x3968xf32>
    %swap3A_478 = vector.shape_cast %swap3A_477 : vector<1x1x3968xf32> to vector<3968xf32>
    %swap3A_479 = vector.shape_cast %squeeze3A_473 : vector<3968xf32> to vector<1x1x3968xf32>
    tpu.vector_store %arg3[%swap3A_474, %swap3A_475, %swap3A_476], %swap3A_479 {strides = array<i32>} : memref<1x128x3968xf32, #tpu.memory_space<vmem>>, vector<1x1x3968xf32>,
    %slice3A_480 = vector.extract_strided_slice %dot_general3A_90 {offsets = [0, 78], sizes = [1, 3968], strides = [1, 1]} : vector<1x4096xf32> to vector<1x3968xf32>
    %squeeze3A_481 = vector.shape_cast %slice3A_480 : vector<1x3968xf32> to vector<3968xf32>
    %swap3A_482 = arith.constant 0 : index
    %swap3A_483 = arith.constant 49 : index
    %swap3A_484 = arith.constant 0 : index
    %swap3A_485 = vector.load %arg3[%swap3A_482, %swap3A_483, %swap3A_484] : memref<1x128x3968xf32, #tpu.memory_space<vmem>>, vector<1x1x3968xf32>
    %swap3A_486 = vector.shape_cast %swap3A_485 : vector<1x1x3968xf32> to vector<3968xf32>
    %swap3A_487 = vector.shape_cast %squeeze3A_481 : vector<3968xf32> to vector<1x1x3968xf32>
    tpu.vector_store %arg3[%swap3A_482, %swap3A_483, %swap3A_484], %swap3A_487 {strides = array<i32>} : memref<1x128x3968xf32, #tpu.memory_space<vmem>>, vector<1x1x3968xf32>,
    %slice3A_488 = vector.extract_strided_slice %dot_general3A_90 {offsets = [0, 77], sizes = [1, 3968], strides = [1, 1]} : vector<1x4096xf32> to vector<1x3968xf32>
    %squeeze3A_489 = vector.shape_cast %slice3A_488 : vector<1x3968xf32> to vector<3968xf32>
    %swap3A_490 = arith.constant 0 : index
    %swap3A_491 = arith.constant 50 : index
    %swap3A_492 = arith.constant 0 : index
    %swap3A_493 = vector.load %arg3[%swap3A_490, %swap3A_491, %swap3A_492] : memref<1x128x3968xf32, #tpu.memory_space<vmem>>, vector<1x1x3968xf32>
    %swap3A_494 = vector.shape_cast %swap3A_493 : vector<1x1x3968xf32> to vector<3968xf32>
    %swap3A_495 = vector.shape_cast %squeeze3A_489 : vector<3968xf32> to vector<1x1x3968xf32>
    tpu.vector_store %arg3[%swap3A_490, %swap3A_491, %swap3A_492], %swap3A_495 {strides = array<i32>} : memref<1x128x3968xf32, #tpu.memory_space<vmem>>, vector<1x1x3968xf32>,
    %slice3A_496 = vector.extract_strided_slice %dot_general3A_90 {offsets = [0, 76], sizes = [1, 3968], strides = [1, 1]} : vector<1x4096xf32> to vector<1x3968xf32>
    %squeeze3A_497 = vector.shape_cast %slice3A_496 : vector<1x3968xf32> to vector<3968xf32>
    %swap3A_498 = arith.constant 0 : index
    %swap3A_499 = arith.constant 51 : index
    %swap3A_500 = arith.constant 0 : index
    %swap3A_501 = vector.load %arg3[%swap3A_498, %swap3A_499, %swap3A_500] : memref<1x128x3968xf32, #tpu.memory_space<vmem>>, vector<1x1x3968xf32>
    %swap3A_502 = vector.shape_cast %swap3A_501 : vector<1x1x3968xf32> to vector<3968xf32>
    %swap3A_503 = vector.shape_cast %squeeze3A_497 : vector<3968xf32> to vector<1x1x3968xf32>
    tpu.vector_store %arg3[%swap3A_498, %swap3A_499, %swap3A_500], %swap3A_503 {strides = array<i32>} : memref<1x128x3968xf32, #tpu.memory_space<vmem>>, vector<1x1x3968xf32>,
    %slice3A_504 = vector.extract_strided_slice %dot_general3A_90 {offsets = [0, 75], sizes = [1, 3968], strides = [1, 1]} : vector<1x4096xf32> to vector<1x3968xf32>
    %squeeze3A_505 = vector.shape_cast %slice3A_504 : vector<1x3968xf32> to vector<3968xf32>
    %swap3A_506 = arith.constant 0 : index
    %swap3A_507 = arith.constant 52 : index
    %swap3A_508 = arith.constant 0 : index
    %swap3A_509 = vector.load %arg3[%swap3A_506, %swap3A_507, %swap3A_508] : memref<1x128x3968xf32, #tpu.memory_space<vmem>>, vector<1x1x3968xf32>
    %swap3A_510 = vector.shape_cast %swap3A_509 : vector<1x1x3968xf32> to vector<3968xf32>
    %swap3A_511 = vector.shape_cast %squeeze3A_505 : vector<3968xf32> to vector<1x1x3968xf32>
    tpu.vector_store %arg3[%swap3A_506, %swap3A_507, %swap3A_508], %swap3A_511 {strides = array<i32>} : memref<1x128x3968xf32, #tpu.memory_space<vmem>>, vector<1x1x3968xf32>,
    %slice3A_512 = vector.extract_strided_slice %dot_general3A_90 {offsets = [0, 74], sizes = [1, 3968], strides = [1, 1]} : vector<1x4096xf32> to vector<1x3968xf32>
    %squeeze3A_513 = vector.shape_cast %slice3A_512 : vector<1x3968xf32> to vector<3968xf32>
    %swap3A_514 = arith.constant 0 : index
    %swap3A_515 = arith.constant 53 : index
    %swap3A_516 = arith.constant 0 : index
    %swap3A_517 = vector.load %arg3[%swap3A_514, %swap3A_515, %swap3A_516] : memref<1x128x3968xf32, #tpu.memory_space<vmem>>, vector<1x1x3968xf32>
    %swap3A_518 = vector.shape_cast %swap3A_517 : vector<1x1x3968xf32> to vector<3968xf32>
    %swap3A_519 = vector.shape_cast %squeeze3A_513 : vector<3968xf32> to vector<1x1x3968xf32>
    tpu.vector_store %arg3[%swap3A_514, %swap3A_515, %swap3A_516], %swap3A_519 {strides = array<i32>} : memref<1x128x3968xf32, #tpu.memory_space<vmem>>, vector<1x1x3968xf32>,
    %slice3A_520 = vector.extract_strided_slice %dot_general3A_90 {offsets = [0, 73], sizes = [1, 3968], strides = [1, 1]} : vector<1x4096xf32> to vector<1x3968xf32>
    %squeeze3A_521 = vector.shape_cast %slice3A_520 : vector<1x3968xf32> to vector<3968xf32>
    %swap3A_522 = arith.constant 0 : index
    %swap3A_523 = arith.constant 54 : index
    %swap3A_524 = arith.constant 0 : index
    %swap3A_525 = vector.load %arg3[%swap3A_522, %swap3A_523, %swap3A_524] : memref<1x128x3968xf32, #tpu.memory_space<vmem>>, vector<1x1x3968xf32>
    %swap3A_526 = vector.shape_cast %swap3A_525 : vector<1x1x3968xf32> to vector<3968xf32>
    %swap3A_527 = vector.shape_cast %squeeze3A_521 : vector<3968xf32> to vector<1x1x3968xf32>
    tpu.vector_store %arg3[%swap3A_522, %swap3A_523, %swap3A_524], %swap3A_527 {strides = array<i32>} : memref<1x128x3968xf32, #tpu.memory_space<vmem>>, vector<1x1x3968xf32>,
    %slice3A_528 = vector.extract_strided_slice %dot_general3A_90 {offsets = [0, 72], sizes = [1, 3968], strides = [1, 1]} : vector<1x4096xf32> to vector<1x3968xf32>
    %squeeze3A_529 = vector.shape_cast %slice3A_528 : vector<1x3968xf32> to vector<3968xf32>
    %swap3A_530 = arith.constant 0 : index
    %swap3A_531 = arith.constant 55 : index
    %swap3A_532 = arith.constant 0 : index
    %swap3A_533 = vector.load %arg3[%swap3A_530, %swap3A_531, %swap3A_532] : memref<1x128x3968xf32, #tpu.memory_space<vmem>>, vector<1x1x3968xf32>
    %swap3A_534 = vector.shape_cast %swap3A_533 : vector<1x1x3968xf32> to vector<3968xf32>
    %swap3A_535 = vector.shape_cast %squeeze3A_529 : vector<3968xf32> to vector<1x1x3968xf32>
    tpu.vector_store %arg3[%swap3A_530, %swap3A_531, %swap3A_532], %swap3A_535 {strides = array<i32>} : memref<1x128x3968xf32, #tpu.memory_space<vmem>>, vector<1x1x3968xf32>,
    %slice3A_536 = vector.extract_strided_slice %dot_general3A_90 {offsets = [0, 71], sizes = [1, 3968], strides = [1, 1]} : vector<1x4096xf32> to vector<1x3968xf32>
    %squeeze3A_537 = vector.shape_cast %slice3A_536 : vector<1x3968xf32> to vector<3968xf32>
    %swap3A_538 = arith.constant 0 : index
    %swap3A_539 = arith.constant 56 : index
    %swap3A_540 = arith.constant 0 : index
    %swap3A_541 = vector.load %arg3[%swap3A_538, %swap3A_539, %swap3A_540] : memref<1x128x3968xf32, #tpu.memory_space<vmem>>, vector<1x1x3968xf32>
    %swap3A_542 = vector.shape_cast %swap3A_541 : vector<1x1x3968xf32> to vector<3968xf32>
    %swap3A_543 = vector.shape_cast %squeeze3A_537 : vector<3968xf32> to vector<1x1x3968xf32>
    tpu.vector_store %arg3[%swap3A_538, %swap3A_539, %swap3A_540], %swap3A_543 {strides = array<i32>} : memref<1x128x3968xf32, #tpu.memory_space<vmem>>, vector<1x1x3968xf32>,
    %slice3A_544 = vector.extract_strided_slice %dot_general3A_90 {offsets = [0, 70], sizes = [1, 3968], strides = [1, 1]} : vector<1x4096xf32> to vector<1x3968xf32>
    %squeeze3A_545 = vector.shape_cast %slice3A_544 : vector<1x3968xf32> to vector<3968xf32>
    %swap3A_546 = arith.constant 0 : index
    %swap3A_547 = arith.constant 57 : index
    %swap3A_548 = arith.constant 0 : index
    %swap3A_549 = vector.load %arg3[%swap3A_546, %swap3A_547, %swap3A_548] : memref<1x128x3968xf32, #tpu.memory_space<vmem>>, vector<1x1x3968xf32>
    %swap3A_550 = vector.shape_cast %swap3A_549 : vector<1x1x3968xf32> to vector<3968xf32>
    %swap3A_551 = vector.shape_cast %squeeze3A_545 : vector<3968xf32> to vector<1x1x3968xf32>
    tpu.vector_store %arg3[%swap3A_546, %swap3A_547, %swap3A_548], %swap3A_551 {strides = array<i32>} : memref<1x128x3968xf32, #tpu.memory_space<vmem>>, vector<1x1x3968xf32>,
    %slice3A_552 = vector.extract_strided_slice %dot_general3A_90 {offsets = [0, 69], sizes = [1, 3968], strides = [1, 1]} : vector<1x4096xf32> to vector<1x3968xf32>
    %squeeze3A_553 = vector.shape_cast %slice3A_552 : vector<1x3968xf32> to vector<3968xf32>
    %swap3A_554 = arith.constant 0 : index
    %swap3A_555 = arith.constant 58 : index
    %swap3A_556 = arith.constant 0 : index
    %swap3A_557 = vector.load %arg3[%swap3A_554, %swap3A_555, %swap3A_556] : memref<1x128x3968xf32, #tpu.memory_space<vmem>>, vector<1x1x3968xf32>
    %swap3A_558 = vector.shape_cast %swap3A_557 : vector<1x1x3968xf32> to vector<3968xf32>
    %swap3A_559 = vector.shape_cast %squeeze3A_553 : vector<3968xf32> to vector<1x1x3968xf32>
    tpu.vector_store %arg3[%swap3A_554, %swap3A_555, %swap3A_556], %swap3A_559 {strides = array<i32>} : memref<1x128x3968xf32, #tpu.memory_space<vmem>>, vector<1x1x3968xf32>,
    %slice3A_560 = vector.extract_strided_slice %dot_general3A_90 {offsets = [0, 68], sizes = [1, 3968], strides = [1, 1]} : vector<1x4096xf32> to vector<1x3968xf32>
    %squeeze3A_561 = vector.shape_cast %slice3A_560 : vector<1x3968xf32> to vector<3968xf32>
    %swap3A_562 = arith.constant 0 : index
    %swap3A_563 = arith.constant 59 : index
    %swap3A_564 = arith.constant 0 : index
    %swap3A_565 = vector.load %arg3[%swap3A_562, %swap3A_563, %swap3A_564] : memref<1x128x3968xf32, #tpu.memory_space<vmem>>, vector<1x1x3968xf32>
    %swap3A_566 = vector.shape_cast %swap3A_565 : vector<1x1x3968xf32> to vector<3968xf32>
    %swap3A_567 = vector.shape_cast %squeeze3A_561 : vector<3968xf32> to vector<1x1x3968xf32>
    tpu.vector_store %arg3[%swap3A_562, %swap3A_563, %swap3A_564], %swap3A_567 {strides = array<i32>} : memref<1x128x3968xf32, #tpu.memory_space<vmem>>, vector<1x1x3968xf32>,
    %slice3A_568 = vector.extract_strided_slice %dot_general3A_90 {offsets = [0, 67], sizes = [1, 3968], strides = [1, 1]} : vector<1x4096xf32> to vector<1x3968xf32>
    %squeeze3A_569 = vector.shape_cast %slice3A_568 : vector<1x3968xf32> to vector<3968xf32>
    %swap3A_570 = arith.constant 0 : index
    %swap3A_571 = arith.constant 60 : index
    %swap3A_572 = arith.constant 0 : index
    %swap3A_573 = vector.load %arg3[%swap3A_570, %swap3A_571, %swap3A_572] : memref<1x128x3968xf32, #tpu.memory_space<vmem>>, vector<1x1x3968xf32>
    %swap3A_574 = vector.shape_cast %swap3A_573 : vector<1x1x3968xf32> to vector<3968xf32>
    %swap3A_575 = vector.shape_cast %squeeze3A_569 : vector<3968xf32> to vector<1x1x3968xf32>
    tpu.vector_store %arg3[%swap3A_570, %swap3A_571, %swap3A_572], %swap3A_575 {strides = array<i32>} : memref<1x128x3968xf32, #tpu.memory_space<vmem>>, vector<1x1x3968xf32>,
    %slice3A_576 = vector.extract_strided_slice %dot_general3A_90 {offsets = [0, 66], sizes = [1, 3968], strides = [1, 1]} : vector<1x4096xf32> to vector<1x3968xf32>
    %squeeze3A_577 = vector.shape_cast %slice3A_576 : vector<1x3968xf32> to vector<3968xf32>
    %swap3A_578 = arith.constant 0 : index
    %swap3A_579 = arith.constant 61 : index
    %swap3A_580 = arith.constant 0 : index
    %swap3A_581 = vector.load %arg3[%swap3A_578, %swap3A_579, %swap3A_580] : memref<1x128x3968xf32, #tpu.memory_space<vmem>>, vector<1x1x3968xf32>
    %swap3A_582 = vector.shape_cast %swap3A_581 : vector<1x1x3968xf32> to vector<3968xf32>
    %swap3A_583 = vector.shape_cast %squeeze3A_577 : vector<3968xf32> to vector<1x1x3968xf32>
    tpu.vector_store %arg3[%swap3A_578, %swap3A_579, %swap3A_580], %swap3A_583 {strides = array<i32>} : memref<1x128x3968xf32, #tpu.memory_space<vmem>>, vector<1x1x3968xf32>,
    %slice3A_584 = vector.extract_strided_slice %dot_general3A_90 {offsets = [0, 65], sizes = [1, 3968], strides = [1, 1]} : vector<1x4096xf32> to vector<1x3968xf32>
    %squeeze3A_585 = vector.shape_cast %slice3A_584 : vector<1x3968xf32> to vector<3968xf32>
    %swap3A_586 = arith.constant 0 : index
    %swap3A_587 = arith.constant 62 : index
    %swap3A_588 = arith.constant 0 : index
    %swap3A_589 = vector.load %arg3[%swap3A_586, %swap3A_587, %swap3A_588] : memref<1x128x3968xf32, #tpu.memory_space<vmem>>, vector<1x1x3968xf32>
    %swap3A_590 = vector.shape_cast %swap3A_589 : vector<1x1x3968xf32> to vector<3968xf32>
    %swap3A_591 = vector.shape_cast %squeeze3A_585 : vector<3968xf32> to vector<1x1x3968xf32>
    tpu.vector_store %arg3[%swap3A_586, %swap3A_587, %swap3A_588], %swap3A_591 {strides = array<i32>} : memref<1x128x3968xf32, #tpu.memory_space<vmem>>, vector<1x1x3968xf32>,
    %slice3A_592 = vector.extract_strided_slice %dot_general3A_90 {offsets = [0, 64], sizes = [1, 3968], strides = [1, 1]} : vector<1x4096xf32> to vector<1x3968xf32>
    %squeeze3A_593 = vector.shape_cast %slice3A_592 : vector<1x3968xf32> to vector<3968xf32>
    %swap3A_594 = arith.constant 0 : index
    %swap3A_595 = arith.constant 63 : index
    %swap3A_596 = arith.constant 0 : index
    %swap3A_597 = vector.load %arg3[%swap3A_594, %swap3A_595, %swap3A_596] : memref<1x128x3968xf32, #tpu.memory_space<vmem>>, vector<1x1x3968xf32>
    %swap3A_598 = vector.shape_cast %swap3A_597 : vector<1x1x3968xf32> to vector<3968xf32>
    %swap3A_599 = vector.shape_cast %squeeze3A_593 : vector<3968xf32> to vector<1x1x3968xf32>
    tpu.vector_store %arg3[%swap3A_594, %swap3A_595, %swap3A_596], %swap3A_599 {strides = array<i32>} : memref<1x128x3968xf32, #tpu.memory_space<vmem>>, vector<1x1x3968xf32>,
    %slice3A_600 = vector.extract_strided_slice %dot_general3A_90 {offsets = [0, 63], sizes = [1, 3968], strides = [1, 1]} : vector<1x4096xf32> to vector<1x3968xf32>
    %squeeze3A_601 = vector.shape_cast %slice3A_600 : vector<1x3968xf32> to vector<3968xf32>
    %swap3A_602 = arith.constant 0 : index
    %swap3A_603 = arith.constant 64 : index
    %swap3A_604 = arith.constant 0 : index
    %swap3A_605 = vector.load %arg3[%swap3A_602, %swap3A_603, %swap3A_604] : memref<1x128x3968xf32, #tpu.memory_space<vmem>>, vector<1x1x3968xf32>
    %swap3A_606 = vector.shape_cast %swap3A_605 : vector<1x1x3968xf32> to vector<3968xf32>
    %swap3A_607 = vector.shape_cast %squeeze3A_601 : vector<3968xf32> to vector<1x1x3968xf32>
    tpu.vector_store %arg3[%swap3A_602, %swap3A_603, %swap3A_604], %swap3A_607 {strides = array<i32>} : memref<1x128x3968xf32, #tpu.memory_space<vmem>>, vector<1x1x3968xf32>,
    %slice3A_608 = vector.extract_strided_slice %dot_general3A_90 {offsets = [0, 62], sizes = [1, 3968], strides = [1, 1]} : vector<1x4096xf32> to vector<1x3968xf32>
    %squeeze3A_609 = vector.shape_cast %slice3A_608 : vector<1x3968xf32> to vector<3968xf32>
    %swap3A_610 = arith.constant 0 : index
    %swap3A_611 = arith.constant 65 : index
    %swap3A_612 = arith.constant 0 : index
    %swap3A_613 = vector.load %arg3[%swap3A_610, %swap3A_611, %swap3A_612] : memref<1x128x3968xf32, #tpu.memory_space<vmem>>, vector<1x1x3968xf32>
    %swap3A_614 = vector.shape_cast %swap3A_613 : vector<1x1x3968xf32> to vector<3968xf32>
    %swap3A_615 = vector.shape_cast %squeeze3A_609 : vector<3968xf32> to vector<1x1x3968xf32>
    tpu.vector_store %arg3[%swap3A_610, %swap3A_611, %swap3A_612], %swap3A_615 {strides = array<i32>} : memref<1x128x3968xf32, #tpu.memory_space<vmem>>, vector<1x1x3968xf32>,
    %slice3A_616 = vector.extract_strided_slice %dot_general3A_90 {offsets = [0, 61], sizes = [1, 3968], strides = [1, 1]} : vector<1x4096xf32> to vector<1x3968xf32>
    %squeeze3A_617 = vector.shape_cast %slice3A_616 : vector<1x3968xf32> to vector<3968xf32>
    %swap3A_618 = arith.constant 0 : index
    %swap3A_619 = arith.constant 66 : index
    %swap3A_620 = arith.constant 0 : index
    %swap3A_621 = vector.load %arg3[%swap3A_618, %swap3A_619, %swap3A_620] : memref<1x128x3968xf32, #tpu.memory_space<vmem>>, vector<1x1x3968xf32>
    %swap3A_622 = vector.shape_cast %swap3A_621 : vector<1x1x3968xf32> to vector<3968xf32>
    %swap3A_623 = vector.shape_cast %squeeze3A_617 : vector<3968xf32> to vector<1x1x3968xf32>
    tpu.vector_store %arg3[%swap3A_618, %swap3A_619, %swap3A_620], %swap3A_623 {strides = array<i32>} : memref<1x128x3968xf32, #tpu.memory_space<vmem>>, vector<1x1x3968xf32>,
    %slice3A_624 = vector.extract_strided_slice %dot_general3A_90 {offsets = [0, 60], sizes = [1, 3968], strides = [1, 1]} : vector<1x4096xf32> to vector<1x3968xf32>
    %squeeze3A_625 = vector.shape_cast %slice3A_624 : vector<1x3968xf32> to vector<3968xf32>
    %swap3A_626 = arith.constant 0 : index
    %swap3A_627 = arith.constant 67 : index
    %swap3A_628 = arith.constant 0 : index
    %swap3A_629 = vector.load %arg3[%swap3A_626, %swap3A_627, %swap3A_628] : memref<1x128x3968xf32, #tpu.memory_space<vmem>>, vector<1x1x3968xf32>
    %swap3A_630 = vector.shape_cast %swap3A_629 : vector<1x1x3968xf32> to vector<3968xf32>
    %swap3A_631 = vector.shape_cast %squeeze3A_625 : vector<3968xf32> to vector<1x1x3968xf32>
    tpu.vector_store %arg3[%swap3A_626, %swap3A_627, %swap3A_628], %swap3A_631 {strides = array<i32>} : memref<1x128x3968xf32, #tpu.memory_space<vmem>>, vector<1x1x3968xf32>,
    %slice3A_632 = vector.extract_strided_slice %dot_general3A_90 {offsets = [0, 59], sizes = [1, 3968], strides = [1, 1]} : vector<1x4096xf32> to vector<1x3968xf32>
    %squeeze3A_633 = vector.shape_cast %slice3A_632 : vector<1x3968xf32> to vector<3968xf32>
    %swap3A_634 = arith.constant 0 : index
    %swap3A_635 = arith.constant 68 : index
    %swap3A_636 = arith.constant 0 : index
    %swap3A_637 = vector.load %arg3[%swap3A_634, %swap3A_635, %swap3A_636] : memref<1x128x3968xf32, #tpu.memory_space<vmem>>, vector<1x1x3968xf32>
    %swap3A_638 = vector.shape_cast %swap3A_637 : vector<1x1x3968xf32> to vector<3968xf32>
    %swap3A_639 = vector.shape_cast %squeeze3A_633 : vector<3968xf32> to vector<1x1x3968xf32>
    tpu.vector_store %arg3[%swap3A_634, %swap3A_635, %swap3A_636], %swap3A_639 {strides = array<i32>} : memref<1x128x3968xf32, #tpu.memory_space<vmem>>, vector<1x1x3968xf32>,
    %slice3A_640 = vector.extract_strided_slice %dot_general3A_90 {offsets = [0, 58], sizes = [1, 3968], strides = [1, 1]} : vector<1x4096xf32> to vector<1x3968xf32>
    %squeeze3A_641 = vector.shape_cast %slice3A_640 : vector<1x3968xf32> to vector<3968xf32>
    %swap3A_642 = arith.constant 0 : index
    %swap3A_643 = arith.constant 69 : index
    %swap3A_644 = arith.constant 0 : index
    %swap3A_645 = vector.load %arg3[%swap3A_642, %swap3A_643, %swap3A_644] : memref<1x128x3968xf32, #tpu.memory_space<vmem>>, vector<1x1x3968xf32>
    %swap3A_646 = vector.shape_cast %swap3A_645 : vector<1x1x3968xf32> to vector<3968xf32>
    %swap3A_647 = vector.shape_cast %squeeze3A_641 : vector<3968xf32> to vector<1x1x3968xf32>
    tpu.vector_store %arg3[%swap3A_642, %swap3A_643, %swap3A_644], %swap3A_647 {strides = array<i32>} : memref<1x128x3968xf32, #tpu.memory_space<vmem>>, vector<1x1x3968xf32>,
    %slice3A_648 = vector.extract_strided_slice %dot_general3A_90 {offsets = [0, 57], sizes = [1, 3968], strides = [1, 1]} : vector<1x4096xf32> to vector<1x3968xf32>
    %squeeze3A_649 = vector.shape_cast %slice3A_648 : vector<1x3968xf32> to vector<3968xf32>
    %swap3A_650 = arith.constant 0 : index
    %swap3A_651 = arith.constant 70 : index
    %swap3A_652 = arith.constant 0 : index
    %swap3A_653 = vector.load %arg3[%swap3A_650, %swap3A_651, %swap3A_652] : memref<1x128x3968xf32, #tpu.memory_space<vmem>>, vector<1x1x3968xf32>
    %swap3A_654 = vector.shape_cast %swap3A_653 : vector<1x1x3968xf32> to vector<3968xf32>
    %swap3A_655 = vector.shape_cast %squeeze3A_649 : vector<3968xf32> to vector<1x1x3968xf32>
    tpu.vector_store %arg3[%swap3A_650, %swap3A_651, %swap3A_652], %swap3A_655 {strides = array<i32>} : memref<1x128x3968xf32, #tpu.memory_space<vmem>>, vector<1x1x3968xf32>,
    %slice3A_656 = vector.extract_strided_slice %dot_general3A_90 {offsets = [0, 56], sizes = [1, 3968], strides = [1, 1]} : vector<1x4096xf32> to vector<1x3968xf32>
    %squeeze3A_657 = vector.shape_cast %slice3A_656 : vector<1x3968xf32> to vector<3968xf32>
    %swap3A_658 = arith.constant 0 : index
    %swap3A_659 = arith.constant 71 : index
    %swap3A_660 = arith.constant 0 : index
    %swap3A_661 = vector.load %arg3[%swap3A_658, %swap3A_659, %swap3A_660] : memref<1x128x3968xf32, #tpu.memory_space<vmem>>, vector<1x1x3968xf32>
    %swap3A_662 = vector.shape_cast %swap3A_661 : vector<1x1x3968xf32> to vector<3968xf32>
    %swap3A_663 = vector.shape_cast %squeeze3A_657 : vector<3968xf32> to vector<1x1x3968xf32>
    tpu.vector_store %arg3[%swap3A_658, %swap3A_659, %swap3A_660], %swap3A_663 {strides = array<i32>} : memref<1x128x3968xf32, #tpu.memory_space<vmem>>, vector<1x1x3968xf32>,
    %slice3A_664 = vector.extract_strided_slice %dot_general3A_90 {offsets = [0, 55], sizes = [1, 3968], strides = [1, 1]} : vector<1x4096xf32> to vector<1x3968xf32>
    %squeeze3A_665 = vector.shape_cast %slice3A_664 : vector<1x3968xf32> to vector<3968xf32>
    %swap3A_666 = arith.constant 0 : index
    %swap3A_667 = arith.constant 72 : index
    %swap3A_668 = arith.constant 0 : index
    %swap3A_669 = vector.load %arg3[%swap3A_666, %swap3A_667, %swap3A_668] : memref<1x128x3968xf32, #tpu.memory_space<vmem>>, vector<1x1x3968xf32>
    %swap3A_670 = vector.shape_cast %swap3A_669 : vector<1x1x3968xf32> to vector<3968xf32>
    %swap3A_671 = vector.shape_cast %squeeze3A_665 : vector<3968xf32> to vector<1x1x3968xf32>
    tpu.vector_store %arg3[%swap3A_666, %swap3A_667, %swap3A_668], %swap3A_671 {strides = array<i32>} : memref<1x128x3968xf32, #tpu.memory_space<vmem>>, vector<1x1x3968xf32>,
    %slice3A_672 = vector.extract_strided_slice %dot_general3A_90 {offsets = [0, 54], sizes = [1, 3968], strides = [1, 1]} : vector<1x4096xf32> to vector<1x3968xf32>
    %squeeze3A_673 = vector.shape_cast %slice3A_672 : vector<1x3968xf32> to vector<3968xf32>
    %swap3A_674 = arith.constant 0 : index
    %swap3A_675 = arith.constant 73 : index
    %swap3A_676 = arith.constant 0 : index
    %swap3A_677 = vector.load %arg3[%swap3A_674, %swap3A_675, %swap3A_676] : memref<1x128x3968xf32, #tpu.memory_space<vmem>>, vector<1x1x3968xf32>
    %swap3A_678 = vector.shape_cast %swap3A_677 : vector<1x1x3968xf32> to vector<3968xf32>
    %swap3A_679 = vector.shape_cast %squeeze3A_673 : vector<3968xf32> to vector<1x1x3968xf32>
    tpu.vector_store %arg3[%swap3A_674, %swap3A_675, %swap3A_676], %swap3A_679 {strides = array<i32>} : memref<1x128x3968xf32, #tpu.memory_space<vmem>>, vector<1x1x3968xf32>,
    %slice3A_680 = vector.extract_strided_slice %dot_general3A_90 {offsets = [0, 53], sizes = [1, 3968], strides = [1, 1]} : vector<1x4096xf32> to vector<1x3968xf32>
    %squeeze3A_681 = vector.shape_cast %slice3A_680 : vector<1x3968xf32> to vector<3968xf32>
    %swap3A_682 = arith.constant 0 : index
    %swap3A_683 = arith.constant 74 : index
    %swap3A_684 = arith.constant 0 : index
    %swap3A_685 = vector.load %arg3[%swap3A_682, %swap3A_683, %swap3A_684] : memref<1x128x3968xf32, #tpu.memory_space<vmem>>, vector<1x1x3968xf32>
    %swap3A_686 = vector.shape_cast %swap3A_685 : vector<1x1x3968xf32> to vector<3968xf32>
    %swap3A_687 = vector.shape_cast %squeeze3A_681 : vector<3968xf32> to vector<1x1x3968xf32>
    tpu.vector_store %arg3[%swap3A_682, %swap3A_683, %swap3A_684], %swap3A_687 {strides = array<i32>} : memref<1x128x3968xf32, #tpu.memory_space<vmem>>, vector<1x1x3968xf32>,
    %slice3A_688 = vector.extract_strided_slice %dot_general3A_90 {offsets = [0, 52], sizes = [1, 3968], strides = [1, 1]} : vector<1x4096xf32> to vector<1x3968xf32>
    %squeeze3A_689 = vector.shape_cast %slice3A_688 : vector<1x3968xf32> to vector<3968xf32>
    %swap3A_690 = arith.constant 0 : index
    %swap3A_691 = arith.constant 75 : index
    %swap3A_692 = arith.constant 0 : index
    %swap3A_693 = vector.load %arg3[%swap3A_690, %swap3A_691, %swap3A_692] : memref<1x128x3968xf32, #tpu.memory_space<vmem>>, vector<1x1x3968xf32>
    %swap3A_694 = vector.shape_cast %swap3A_693 : vector<1x1x3968xf32> to vector<3968xf32>
    %swap3A_695 = vector.shape_cast %squeeze3A_689 : vector<3968xf32> to vector<1x1x3968xf32>
    tpu.vector_store %arg3[%swap3A_690, %swap3A_691, %swap3A_692], %swap3A_695 {strides = array<i32>} : memref<1x128x3968xf32, #tpu.memory_space<vmem>>, vector<1x1x3968xf32>,
    %slice3A_696 = vector.extract_strided_slice %dot_general3A_90 {offsets = [0, 51], sizes = [1, 3968], strides = [1, 1]} : vector<1x4096xf32> to vector<1x3968xf32>
    %squeeze3A_697 = vector.shape_cast %slice3A_696 : vector<1x3968xf32> to vector<3968xf32>
    %swap3A_698 = arith.constant 0 : index
    %swap3A_699 = arith.constant 76 : index
    %swap3A_700 = arith.constant 0 : index
    %swap3A_701 = vector.load %arg3[%swap3A_698, %swap3A_699, %swap3A_700] : memref<1x128x3968xf32, #tpu.memory_space<vmem>>, vector<1x1x3968xf32>
    %swap3A_702 = vector.shape_cast %swap3A_701 : vector<1x1x3968xf32> to vector<3968xf32>
    %swap3A_703 = vector.shape_cast %squeeze3A_697 : vector<3968xf32> to vector<1x1x3968xf32>
    tpu.vector_store %arg3[%swap3A_698, %swap3A_699, %swap3A_700], %swap3A_703 {strides = array<i32>} : memref<1x128x3968xf32, #tpu.memory_space<vmem>>, vector<1x1x3968xf32>,
    %slice3A_704 = vector.extract_strided_slice %dot_general3A_90 {offsets = [0, 50], sizes = [1, 3968], strides = [1, 1]} : vector<1x4096xf32> to vector<1x3968xf32>
    %squeeze3A_705 = vector.shape_cast %slice3A_704 : vector<1x3968xf32> to vector<3968xf32>
    %swap3A_706 = arith.constant 0 : index
    %swap3A_707 = arith.constant 77 : index
    %swap3A_708 = arith.constant 0 : index
    %swap3A_709 = vector.load %arg3[%swap3A_706, %swap3A_707, %swap3A_708] : memref<1x128x3968xf32, #tpu.memory_space<vmem>>, vector<1x1x3968xf32>
    %swap3A_710 = vector.shape_cast %swap3A_709 : vector<1x1x3968xf32> to vector<3968xf32>
    %swap3A_711 = vector.shape_cast %squeeze3A_705 : vector<3968xf32> to vector<1x1x3968xf32>
    tpu.vector_store %arg3[%swap3A_706, %swap3A_707, %swap3A_708], %swap3A_711 {strides = array<i32>} : memref<1x128x3968xf32, #tpu.memory_space<vmem>>, vector<1x1x3968xf32>,
    %slice3A_712 = vector.extract_strided_slice %dot_general3A_90 {offsets = [0, 49], sizes = [1, 3968], strides = [1, 1]} : vector<1x4096xf32> to vector<1x3968xf32>
    %squeeze3A_713 = vector.shape_cast %slice3A_712 : vector<1x3968xf32> to vector<3968xf32>
    %swap3A_714 = arith.constant 0 : index
    %swap3A_715 = arith.constant 78 : index
    %swap3A_716 = arith.constant 0 : index
    %swap3A_717 = vector.load %arg3[%swap3A_714, %swap3A_715, %swap3A_716] : memref<1x128x3968xf32, #tpu.memory_space<vmem>>, vector<1x1x3968xf32>
    %swap3A_718 = vector.shape_cast %swap3A_717 : vector<1x1x3968xf32> to vector<3968xf32>
    %swap3A_719 = vector.shape_cast %squeeze3A_713 : vector<3968xf32> to vector<1x1x3968xf32>
    tpu.vector_store %arg3[%swap3A_714, %swap3A_715, %swap3A_716], %swap3A_719 {strides = array<i32>} : memref<1x128x3968xf32, #tpu.memory_space<vmem>>, vector<1x1x3968xf32>,
    %slice3A_720 = vector.extract_strided_slice %dot_general3A_90 {offsets = [0, 48], sizes = [1, 3968], strides = [1, 1]} : vector<1x4096xf32> to vector<1x3968xf32>
    %squeeze3A_721 = vector.shape_cast %slice3A_720 : vector<1x3968xf32> to vector<3968xf32>
    %swap3A_722 = arith.constant 0 : index
    %swap3A_723 = arith.constant 79 : index
    %swap3A_724 = arith.constant 0 : index
    %swap3A_725 = vector.load %arg3[%swap3A_722, %swap3A_723, %swap3A_724] : memref<1x128x3968xf32, #tpu.memory_space<vmem>>, vector<1x1x3968xf32>
    %swap3A_726 = vector.shape_cast %swap3A_725 : vector<1x1x3968xf32> to vector<3968xf32>
    %swap3A_727 = vector.shape_cast %squeeze3A_721 : vector<3968xf32> to vector<1x1x3968xf32>
    tpu.vector_store %arg3[%swap3A_722, %swap3A_723, %swap3A_724], %swap3A_727 {strides = array<i32>} : memref<1x128x3968xf32, #tpu.memory_space<vmem>>, vector<1x1x3968xf32>,
    %slice3A_728 = vector.extract_strided_slice %dot_general3A_90 {offsets = [0, 47], sizes = [1, 3968], strides = [1, 1]} : vector<1x4096xf32> to vector<1x3968xf32>
    %squeeze3A_729 = vector.shape_cast %slice3A_728 : vector<1x3968xf32> to vector<3968xf32>
    %swap3A_730 = arith.constant 0 : index
    %swap3A_731 = arith.constant 80 : index
    %swap3A_732 = arith.constant 0 : index
    %swap3A_733 = vector.load %arg3[%swap3A_730, %swap3A_731, %swap3A_732] : memref<1x128x3968xf32, #tpu.memory_space<vmem>>, vector<1x1x3968xf32>
    %swap3A_734 = vector.shape_cast %swap3A_733 : vector<1x1x3968xf32> to vector<3968xf32>
    %swap3A_735 = vector.shape_cast %squeeze3A_729 : vector<3968xf32> to vector<1x1x3968xf32>
    tpu.vector_store %arg3[%swap3A_730, %swap3A_731, %swap3A_732], %swap3A_735 {strides = array<i32>} : memref<1x128x3968xf32, #tpu.memory_space<vmem>>, vector<1x1x3968xf32>,
    %slice3A_736 = vector.extract_strided_slice %dot_general3A_90 {offsets = [0, 46], sizes = [1, 3968], strides = [1, 1]} : vector<1x4096xf32> to vector<1x3968xf32>
    %squeeze3A_737 = vector.shape_cast %slice3A_736 : vector<1x3968xf32> to vector<3968xf32>
    %swap3A_738 = arith.constant 0 : index
    %swap3A_739 = arith.constant 81 : index
    %swap3A_740 = arith.constant 0 : index
    %swap3A_741 = vector.load %arg3[%swap3A_738, %swap3A_739, %swap3A_740] : memref<1x128x3968xf32, #tpu.memory_space<vmem>>, vector<1x1x3968xf32>
    %swap3A_742 = vector.shape_cast %swap3A_741 : vector<1x1x3968xf32> to vector<3968xf32>
    %swap3A_743 = vector.shape_cast %squeeze3A_737 : vector<3968xf32> to vector<1x1x3968xf32>
    tpu.vector_store %arg3[%swap3A_738, %swap3A_739, %swap3A_740], %swap3A_743 {strides = array<i32>} : memref<1x128x3968xf32, #tpu.memory_space<vmem>>, vector<1x1x3968xf32>,
    %slice3A_744 = vector.extract_strided_slice %dot_general3A_90 {offsets = [0, 45], sizes = [1, 3968], strides = [1, 1]} : vector<1x4096xf32> to vector<1x3968xf32>
    %squeeze3A_745 = vector.shape_cast %slice3A_744 : vector<1x3968xf32> to vector<3968xf32>
    %swap3A_746 = arith.constant 0 : index
    %swap3A_747 = arith.constant 82 : index
    %swap3A_748 = arith.constant 0 : index
    %swap3A_749 = vector.load %arg3[%swap3A_746, %swap3A_747, %swap3A_748] : memref<1x128x3968xf32, #tpu.memory_space<vmem>>, vector<1x1x3968xf32>
    %swap3A_750 = vector.shape_cast %swap3A_749 : vector<1x1x3968xf32> to vector<3968xf32>
    %swap3A_751 = vector.shape_cast %squeeze3A_745 : vector<3968xf32> to vector<1x1x3968xf32>
    tpu.vector_store %arg3[%swap3A_746, %swap3A_747, %swap3A_748], %swap3A_751 {strides = array<i32>} : memref<1x128x3968xf32, #tpu.memory_space<vmem>>, vector<1x1x3968xf32>,
    %slice3A_752 = vector.extract_strided_slice %dot_general3A_90 {offsets = [0, 44], sizes = [1, 3968], strides = [1, 1]} : vector<1x4096xf32> to vector<1x3968xf32>
    %squeeze3A_753 = vector.shape_cast %slice3A_752 : vector<1x3968xf32> to vector<3968xf32>
    %swap3A_754 = arith.constant 0 : index
    %swap3A_755 = arith.constant 83 : index
    %swap3A_756 = arith.constant 0 : index
    %swap3A_757 = vector.load %arg3[%swap3A_754, %swap3A_755, %swap3A_756] : memref<1x128x3968xf32, #tpu.memory_space<vmem>>, vector<1x1x3968xf32>
    %swap3A_758 = vector.shape_cast %swap3A_757 : vector<1x1x3968xf32> to vector<3968xf32>
    %swap3A_759 = vector.shape_cast %squeeze3A_753 : vector<3968xf32> to vector<1x1x3968xf32>
    tpu.vector_store %arg3[%swap3A_754, %swap3A_755, %swap3A_756], %swap3A_759 {strides = array<i32>} : memref<1x128x3968xf32, #tpu.memory_space<vmem>>, vector<1x1x3968xf32>,
    %slice3A_760 = vector.extract_strided_slice %dot_general3A_90 {offsets = [0, 43], sizes = [1, 3968], strides = [1, 1]} : vector<1x4096xf32> to vector<1x3968xf32>
    %squeeze3A_761 = vector.shape_cast %slice3A_760 : vector<1x3968xf32> to vector<3968xf32>
    %swap3A_762 = arith.constant 0 : index
    %swap3A_763 = arith.constant 84 : index
    %swap3A_764 = arith.constant 0 : index
    %swap3A_765 = vector.load %arg3[%swap3A_762, %swap3A_763, %swap3A_764] : memref<1x128x3968xf32, #tpu.memory_space<vmem>>, vector<1x1x3968xf32>
    %swap3A_766 = vector.shape_cast %swap3A_765 : vector<1x1x3968xf32> to vector<3968xf32>
    %swap3A_767 = vector.shape_cast %squeeze3A_761 : vector<3968xf32> to vector<1x1x3968xf32>
    tpu.vector_store %arg3[%swap3A_762, %swap3A_763, %swap3A_764], %swap3A_767 {strides = array<i32>} : memref<1x128x3968xf32, #tpu.memory_space<vmem>>, vector<1x1x3968xf32>,
    %slice3A_768 = vector.extract_strided_slice %dot_general3A_90 {offsets = [0, 42], sizes = [1, 3968], strides = [1, 1]} : vector<1x4096xf32> to vector<1x3968xf32>
    %squeeze3A_769 = vector.shape_cast %slice3A_768 : vector<1x3968xf32> to vector<3968xf32>
    %swap3A_770 = arith.constant 0 : index
    %swap3A_771 = arith.constant 85 : index
    %swap3A_772 = arith.constant 0 : index
    %swap3A_773 = vector.load %arg3[%swap3A_770, %swap3A_771, %swap3A_772] : memref<1x128x3968xf32, #tpu.memory_space<vmem>>, vector<1x1x3968xf32>
    %swap3A_774 = vector.shape_cast %swap3A_773 : vector<1x1x3968xf32> to vector<3968xf32>
    %swap3A_775 = vector.shape_cast %squeeze3A_769 : vector<3968xf32> to vector<1x1x3968xf32>
    tpu.vector_store %arg3[%swap3A_770, %swap3A_771, %swap3A_772], %swap3A_775 {strides = array<i32>} : memref<1x128x3968xf32, #tpu.memory_space<vmem>>, vector<1x1x3968xf32>,
    %slice3A_776 = vector.extract_strided_slice %dot_general3A_90 {offsets = [0, 41], sizes = [1, 3968], strides = [1, 1]} : vector<1x4096xf32> to vector<1x3968xf32>
    %squeeze3A_777 = vector.shape_cast %slice3A_776 : vector<1x3968xf32> to vector<3968xf32>
    %swap3A_778 = arith.constant 0 : index
    %swap3A_779 = arith.constant 86 : index
    %swap3A_780 = arith.constant 0 : index
    %swap3A_781 = vector.load %arg3[%swap3A_778, %swap3A_779, %swap3A_780] : memref<1x128x3968xf32, #tpu.memory_space<vmem>>, vector<1x1x3968xf32>
    %swap3A_782 = vector.shape_cast %swap3A_781 : vector<1x1x3968xf32> to vector<3968xf32>
    %swap3A_783 = vector.shape_cast %squeeze3A_777 : vector<3968xf32> to vector<1x1x3968xf32>
    tpu.vector_store %arg3[%swap3A_778, %swap3A_779, %swap3A_780], %swap3A_783 {strides = array<i32>} : memref<1x128x3968xf32, #tpu.memory_space<vmem>>, vector<1x1x3968xf32>,
    %slice3A_784 = vector.extract_strided_slice %dot_general3A_90 {offsets = [0, 40], sizes = [1, 3968], strides = [1, 1]} : vector<1x4096xf32> to vector<1x3968xf32>
    %squeeze3A_785 = vector.shape_cast %slice3A_784 : vector<1x3968xf32> to vector<3968xf32>
    %swap3A_786 = arith.constant 0 : index
    %swap3A_787 = arith.constant 87 : index
    %swap3A_788 = arith.constant 0 : index
    %swap3A_789 = vector.load %arg3[%swap3A_786, %swap3A_787, %swap3A_788] : memref<1x128x3968xf32, #tpu.memory_space<vmem>>, vector<1x1x3968xf32>
    %swap3A_790 = vector.shape_cast %swap3A_789 : vector<1x1x3968xf32> to vector<3968xf32>
    %swap3A_791 = vector.shape_cast %squeeze3A_785 : vector<3968xf32> to vector<1x1x3968xf32>
    tpu.vector_store %arg3[%swap3A_786, %swap3A_787, %swap3A_788], %swap3A_791 {strides = array<i32>} : memref<1x128x3968xf32, #tpu.memory_space<vmem>>, vector<1x1x3968xf32>,
    %slice3A_792 = vector.extract_strided_slice %dot_general3A_90 {offsets = [0, 39], sizes = [1, 3968], strides = [1, 1]} : vector<1x4096xf32> to vector<1x3968xf32>
    %squeeze3A_793 = vector.shape_cast %slice3A_792 : vector<1x3968xf32> to vector<3968xf32>
    %swap3A_794 = arith.constant 0 : index
    %swap3A_795 = arith.constant 88 : index
    %swap3A_796 = arith.constant 0 : index
    %swap3A_797 = vector.load %arg3[%swap3A_794, %swap3A_795, %swap3A_796] : memref<1x128x3968xf32, #tpu.memory_space<vmem>>, vector<1x1x3968xf32>
    %swap3A_798 = vector.shape_cast %swap3A_797 : vector<1x1x3968xf32> to vector<3968xf32>
    %swap3A_799 = vector.shape_cast %squeeze3A_793 : vector<3968xf32> to vector<1x1x3968xf32>
    tpu.vector_store %arg3[%swap3A_794, %swap3A_795, %swap3A_796], %swap3A_799 {strides = array<i32>} : memref<1x128x3968xf32, #tpu.memory_space<vmem>>, vector<1x1x3968xf32>,
    %slice3A_800 = vector.extract_strided_slice %dot_general3A_90 {offsets = [0, 38], sizes = [1, 3968], strides = [1, 1]} : vector<1x4096xf32> to vector<1x3968xf32>
    %squeeze3A_801 = vector.shape_cast %slice3A_800 : vector<1x3968xf32> to vector<3968xf32>
    %swap3A_802 = arith.constant 0 : index
    %swap3A_803 = arith.constant 89 : index
    %swap3A_804 = arith.constant 0 : index
    %swap3A_805 = vector.load %arg3[%swap3A_802, %swap3A_803, %swap3A_804] : memref<1x128x3968xf32, #tpu.memory_space<vmem>>, vector<1x1x3968xf32>
    %swap3A_806 = vector.shape_cast %swap3A_805 : vector<1x1x3968xf32> to vector<3968xf32>
    %swap3A_807 = vector.shape_cast %squeeze3A_801 : vector<3968xf32> to vector<1x1x3968xf32>
    tpu.vector_store %arg3[%swap3A_802, %swap3A_803, %swap3A_804], %swap3A_807 {strides = array<i32>} : memref<1x128x3968xf32, #tpu.memory_space<vmem>>, vector<1x1x3968xf32>,
    %slice3A_808 = vector.extract_strided_slice %dot_general3A_90 {offsets = [0, 37], sizes = [1, 3968], strides = [1, 1]} : vector<1x4096xf32> to vector<1x3968xf32>
    %squeeze3A_809 = vector.shape_cast %slice3A_808 : vector<1x3968xf32> to vector<3968xf32>
    %swap3A_810 = arith.constant 0 : index
    %swap3A_811 = arith.constant 90 : index
    %swap3A_812 = arith.constant 0 : index
    %swap3A_813 = vector.load %arg3[%swap3A_810, %swap3A_811, %swap3A_812] : memref<1x128x3968xf32, #tpu.memory_space<vmem>>, vector<1x1x3968xf32>
    %swap3A_814 = vector.shape_cast %swap3A_813 : vector<1x1x3968xf32> to vector<3968xf32>
    %swap3A_815 = vector.shape_cast %squeeze3A_809 : vector<3968xf32> to vector<1x1x3968xf32>
    tpu.vector_store %arg3[%swap3A_810, %swap3A_811, %swap3A_812], %swap3A_815 {strides = array<i32>} : memref<1x128x3968xf32, #tpu.memory_space<vmem>>, vector<1x1x3968xf32>,
    %slice3A_816 = vector.extract_strided_slice %dot_general3A_90 {offsets = [0, 36], sizes = [1, 3968], strides = [1, 1]} : vector<1x4096xf32> to vector<1x3968xf32>
    %squeeze3A_817 = vector.shape_cast %slice3A_816 : vector<1x3968xf32> to vector<3968xf32>
    %swap3A_818 = arith.constant 0 : index
    %swap3A_819 = arith.constant 91 : index
    %swap3A_820 = arith.constant 0 : index
    %swap3A_821 = vector.load %arg3[%swap3A_818, %swap3A_819, %swap3A_820] : memref<1x128x3968xf32, #tpu.memory_space<vmem>>, vector<1x1x3968xf32>
    %swap3A_822 = vector.shape_cast %swap3A_821 : vector<1x1x3968xf32> to vector<3968xf32>
    %swap3A_823 = vector.shape_cast %squeeze3A_817 : vector<3968xf32> to vector<1x1x3968xf32>
    tpu.vector_store %arg3[%swap3A_818, %swap3A_819, %swap3A_820], %swap3A_823 {strides = array<i32>} : memref<1x128x3968xf32, #tpu.memory_space<vmem>>, vector<1x1x3968xf32>,
    %slice3A_824 = vector.extract_strided_slice %dot_general3A_90 {offsets = [0, 35], sizes = [1, 3968], strides = [1, 1]} : vector<1x4096xf32> to vector<1x3968xf32>
    %squeeze3A_825 = vector.shape_cast %slice3A_824 : vector<1x3968xf32> to vector<3968xf32>
    %swap3A_826 = arith.constant 0 : index
    %swap3A_827 = arith.constant 92 : index
    %swap3A_828 = arith.constant 0 : index
    %swap3A_829 = vector.load %arg3[%swap3A_826, %swap3A_827, %swap3A_828] : memref<1x128x3968xf32, #tpu.memory_space<vmem>>, vector<1x1x3968xf32>
    %swap3A_830 = vector.shape_cast %swap3A_829 : vector<1x1x3968xf32> to vector<3968xf32>
    %swap3A_831 = vector.shape_cast %squeeze3A_825 : vector<3968xf32> to vector<1x1x3968xf32>
    tpu.vector_store %arg3[%swap3A_826, %swap3A_827, %swap3A_828], %swap3A_831 {strides = array<i32>} : memref<1x128x3968xf32, #tpu.memory_space<vmem>>, vector<1x1x3968xf32>,
    %slice3A_832 = vector.extract_strided_slice %dot_general3A_90 {offsets = [0, 34], sizes = [1, 3968], strides = [1, 1]} : vector<1x4096xf32> to vector<1x3968xf32>
    %squeeze3A_833 = vector.shape_cast %slice3A_832 : vector<1x3968xf32> to vector<3968xf32>
    %swap3A_834 = arith.constant 0 : index
    %swap3A_835 = arith.constant 93 : index
    %swap3A_836 = arith.constant 0 : index
    %swap3A_837 = vector.load %arg3[%swap3A_834, %swap3A_835, %swap3A_836] : memref<1x128x3968xf32, #tpu.memory_space<vmem>>, vector<1x1x3968xf32>
    %swap3A_838 = vector.shape_cast %swap3A_837 : vector<1x1x3968xf32> to vector<3968xf32>
    %swap3A_839 = vector.shape_cast %squeeze3A_833 : vector<3968xf32> to vector<1x1x3968xf32>
    tpu.vector_store %arg3[%swap3A_834, %swap3A_835, %swap3A_836], %swap3A_839 {strides = array<i32>} : memref<1x128x3968xf32, #tpu.memory_space<vmem>>, vector<1x1x3968xf32>,
    %slice3A_840 = vector.extract_strided_slice %dot_general3A_90 {offsets = [0, 33], sizes = [1, 3968], strides = [1, 1]} : vector<1x4096xf32> to vector<1x3968xf32>
    %squeeze3A_841 = vector.shape_cast %slice3A_840 : vector<1x3968xf32> to vector<3968xf32>
    %swap3A_842 = arith.constant 0 : index
    %swap3A_843 = arith.constant 94 : index
    %swap3A_844 = arith.constant 0 : index
    %swap3A_845 = vector.load %arg3[%swap3A_842, %swap3A_843, %swap3A_844] : memref<1x128x3968xf32, #tpu.memory_space<vmem>>, vector<1x1x3968xf32>
    %swap3A_846 = vector.shape_cast %swap3A_845 : vector<1x1x3968xf32> to vector<3968xf32>
    %swap3A_847 = vector.shape_cast %squeeze3A_841 : vector<3968xf32> to vector<1x1x3968xf32>
    tpu.vector_store %arg3[%swap3A_842, %swap3A_843, %swap3A_844], %swap3A_847 {strides = array<i32>} : memref<1x128x3968xf32, #tpu.memory_space<vmem>>, vector<1x1x3968xf32>,
    %slice3A_848 = vector.extract_strided_slice %dot_general3A_90 {offsets = [0, 32], sizes = [1, 3968], strides = [1, 1]} : vector<1x4096xf32> to vector<1x3968xf32>
    %squeeze3A_849 = vector.shape_cast %slice3A_848 : vector<1x3968xf32> to vector<3968xf32>
    %swap3A_850 = arith.constant 0 : index
    %swap3A_851 = arith.constant 95 : index
    %swap3A_852 = arith.constant 0 : index
    %swap3A_853 = vector.load %arg3[%swap3A_850, %swap3A_851, %swap3A_852] : memref<1x128x3968xf32, #tpu.memory_space<vmem>>, vector<1x1x3968xf32>
    %swap3A_854 = vector.shape_cast %swap3A_853 : vector<1x1x3968xf32> to vector<3968xf32>
    %swap3A_855 = vector.shape_cast %squeeze3A_849 : vector<3968xf32> to vector<1x1x3968xf32>
    tpu.vector_store %arg3[%swap3A_850, %swap3A_851, %swap3A_852], %swap3A_855 {strides = array<i32>} : memref<1x128x3968xf32, #tpu.memory_space<vmem>>, vector<1x1x3968xf32>,
    %slice3A_856 = vector.extract_strided_slice %dot_general3A_90 {offsets = [0, 31], sizes = [1, 3968], strides = [1, 1]} : vector<1x4096xf32> to vector<1x3968xf32>
    %squeeze3A_857 = vector.shape_cast %slice3A_856 : vector<1x3968xf32> to vector<3968xf32>
    %swap3A_858 = arith.constant 0 : index
    %swap3A_859 = arith.constant 96 : index
    %swap3A_860 = arith.constant 0 : index
    %swap3A_861 = vector.load %arg3[%swap3A_858, %swap3A_859, %swap3A_860] : memref<1x128x3968xf32, #tpu.memory_space<vmem>>, vector<1x1x3968xf32>
    %swap3A_862 = vector.shape_cast %swap3A_861 : vector<1x1x3968xf32> to vector<3968xf32>
    %swap3A_863 = vector.shape_cast %squeeze3A_857 : vector<3968xf32> to vector<1x1x3968xf32>
    tpu.vector_store %arg3[%swap3A_858, %swap3A_859, %swap3A_860], %swap3A_863 {strides = array<i32>} : memref<1x128x3968xf32, #tpu.memory_space<vmem>>, vector<1x1x3968xf32>,
    %slice3A_864 = vector.extract_strided_slice %dot_general3A_90 {offsets = [0, 30], sizes = [1, 3968], strides = [1, 1]} : vector<1x4096xf32> to vector<1x3968xf32>
    %squeeze3A_865 = vector.shape_cast %slice3A_864 : vector<1x3968xf32> to vector<3968xf32>
    %swap3A_866 = arith.constant 0 : index
    %swap3A_867 = arith.constant 97 : index
    %swap3A_868 = arith.constant 0 : index
    %swap3A_869 = vector.load %arg3[%swap3A_866, %swap3A_867, %swap3A_868] : memref<1x128x3968xf32, #tpu.memory_space<vmem>>, vector<1x1x3968xf32>
    %swap3A_870 = vector.shape_cast %swap3A_869 : vector<1x1x3968xf32> to vector<3968xf32>
    %swap3A_871 = vector.shape_cast %squeeze3A_865 : vector<3968xf32> to vector<1x1x3968xf32>
    tpu.vector_store %arg3[%swap3A_866, %swap3A_867, %swap3A_868], %swap3A_871 {strides = array<i32>} : memref<1x128x3968xf32, #tpu.memory_space<vmem>>, vector<1x1x3968xf32>,
    %slice3A_872 = vector.extract_strided_slice %dot_general3A_90 {offsets = [0, 29], sizes = [1, 3968], strides = [1, 1]} : vector<1x4096xf32> to vector<1x3968xf32>
    %squeeze3A_873 = vector.shape_cast %slice3A_872 : vector<1x3968xf32> to vector<3968xf32>
    %swap3A_874 = arith.constant 0 : index
    %swap3A_875 = arith.constant 98 : index
    %swap3A_876 = arith.constant 0 : index
    %swap3A_877 = vector.load %arg3[%swap3A_874, %swap3A_875, %swap3A_876] : memref<1x128x3968xf32, #tpu.memory_space<vmem>>, vector<1x1x3968xf32>
    %swap3A_878 = vector.shape_cast %swap3A_877 : vector<1x1x3968xf32> to vector<3968xf32>
    %swap3A_879 = vector.shape_cast %squeeze3A_873 : vector<3968xf32> to vector<1x1x3968xf32>
    tpu.vector_store %arg3[%swap3A_874, %swap3A_875, %swap3A_876], %swap3A_879 {strides = array<i32>} : memref<1x128x3968xf32, #tpu.memory_space<vmem>>, vector<1x1x3968xf32>,
    %slice3A_880 = vector.extract_strided_slice %dot_general3A_90 {offsets = [0, 28], sizes = [1, 3968], strides = [1, 1]} : vector<1x4096xf32> to vector<1x3968xf32>
    %squeeze3A_881 = vector.shape_cast %slice3A_880 : vector<1x3968xf32> to vector<3968xf32>
    %swap3A_882 = arith.constant 0 : index
    %swap3A_883 = arith.constant 99 : index
    %swap3A_884 = arith.constant 0 : index
    %swap3A_885 = vector.load %arg3[%swap3A_882, %swap3A_883, %swap3A_884] : memref<1x128x3968xf32, #tpu.memory_space<vmem>>, vector<1x1x3968xf32>
    %swap3A_886 = vector.shape_cast %swap3A_885 : vector<1x1x3968xf32> to vector<3968xf32>
    %swap3A_887 = vector.shape_cast %squeeze3A_881 : vector<3968xf32> to vector<1x1x3968xf32>
    tpu.vector_store %arg3[%swap3A_882, %swap3A_883, %swap3A_884], %swap3A_887 {strides = array<i32>} : memref<1x128x3968xf32, #tpu.memory_space<vmem>>, vector<1x1x3968xf32>,
    %slice3A_888 = vector.extract_strided_slice %dot_general3A_90 {offsets = [0, 27], sizes = [1, 3968], strides = [1, 1]} : vector<1x4096xf32> to vector<1x3968xf32>
    %squeeze3A_889 = vector.shape_cast %slice3A_888 : vector<1x3968xf32> to vector<3968xf32>
    %swap3A_890 = arith.constant 0 : index
    %swap3A_891 = arith.constant 100 : index
    %swap3A_892 = arith.constant 0 : index
    %swap3A_893 = vector.load %arg3[%swap3A_890, %swap3A_891, %swap3A_892] : memref<1x128x3968xf32, #tpu.memory_space<vmem>>, vector<1x1x3968xf32>
    %swap3A_894 = vector.shape_cast %swap3A_893 : vector<1x1x3968xf32> to vector<3968xf32>
    %swap3A_895 = vector.shape_cast %squeeze3A_889 : vector<3968xf32> to vector<1x1x3968xf32>
    tpu.vector_store %arg3[%swap3A_890, %swap3A_891, %swap3A_892], %swap3A_895 {strides = array<i32>} : memref<1x128x3968xf32, #tpu.memory_space<vmem>>, vector<1x1x3968xf32>,
    %slice3A_896 = vector.extract_strided_slice %dot_general3A_90 {offsets = [0, 26], sizes = [1, 3968], strides = [1, 1]} : vector<1x4096xf32> to vector<1x3968xf32>
    %squeeze3A_897 = vector.shape_cast %slice3A_896 : vector<1x3968xf32> to vector<3968xf32>
    %swap3A_898 = arith.constant 0 : index
    %swap3A_899 = arith.constant 101 : index
    %swap3A_900 = arith.constant 0 : index
    %swap3A_901 = vector.load %arg3[%swap3A_898, %swap3A_899, %swap3A_900] : memref<1x128x3968xf32, #tpu.memory_space<vmem>>, vector<1x1x3968xf32>
    %swap3A_902 = vector.shape_cast %swap3A_901 : vector<1x1x3968xf32> to vector<3968xf32>
    %swap3A_903 = vector.shape_cast %squeeze3A_897 : vector<3968xf32> to vector<1x1x3968xf32>
    tpu.vector_store %arg3[%swap3A_898, %swap3A_899, %swap3A_900], %swap3A_903 {strides = array<i32>} : memref<1x128x3968xf32, #tpu.memory_space<vmem>>, vector<1x1x3968xf32>,
    %slice3A_904 = vector.extract_strided_slice %dot_general3A_90 {offsets = [0, 25], sizes = [1, 3968], strides = [1, 1]} : vector<1x4096xf32> to vector<1x3968xf32>
    %squeeze3A_905 = vector.shape_cast %slice3A_904 : vector<1x3968xf32> to vector<3968xf32>
    %swap3A_906 = arith.constant 0 : index
    %swap3A_907 = arith.constant 102 : index
    %swap3A_908 = arith.constant 0 : index
    %swap3A_909 = vector.load %arg3[%swap3A_906, %swap3A_907, %swap3A_908] : memref<1x128x3968xf32, #tpu.memory_space<vmem>>, vector<1x1x3968xf32>
    %swap3A_910 = vector.shape_cast %swap3A_909 : vector<1x1x3968xf32> to vector<3968xf32>
    %swap3A_911 = vector.shape_cast %squeeze3A_905 : vector<3968xf32> to vector<1x1x3968xf32>
    tpu.vector_store %arg3[%swap3A_906, %swap3A_907, %swap3A_908], %swap3A_911 {strides = array<i32>} : memref<1x128x3968xf32, #tpu.memory_space<vmem>>, vector<1x1x3968xf32>,
    %slice3A_912 = vector.extract_strided_slice %dot_general3A_90 {offsets = [0, 24], sizes = [1, 3968], strides = [1, 1]} : vector<1x4096xf32> to vector<1x3968xf32>
    %squeeze3A_913 = vector.shape_cast %slice3A_912 : vector<1x3968xf32> to vector<3968xf32>
    %swap3A_914 = arith.constant 0 : index
    %swap3A_915 = arith.constant 103 : index
    %swap3A_916 = arith.constant 0 : index
    %swap3A_917 = vector.load %arg3[%swap3A_914, %swap3A_915, %swap3A_916] : memref<1x128x3968xf32, #tpu.memory_space<vmem>>, vector<1x1x3968xf32>
    %swap3A_918 = vector.shape_cast %swap3A_917 : vector<1x1x3968xf32> to vector<3968xf32>
    %swap3A_919 = vector.shape_cast %squeeze3A_913 : vector<3968xf32> to vector<1x1x3968xf32>
    tpu.vector_store %arg3[%swap3A_914, %swap3A_915, %swap3A_916], %swap3A_919 {strides = array<i32>} : memref<1x128x3968xf32, #tpu.memory_space<vmem>>, vector<1x1x3968xf32>,
    %slice3A_920 = vector.extract_strided_slice %dot_general3A_90 {offsets = [0, 23], sizes = [1, 3968], strides = [1, 1]} : vector<1x4096xf32> to vector<1x3968xf32>
    %squeeze3A_921 = vector.shape_cast %slice3A_920 : vector<1x3968xf32> to vector<3968xf32>
    %swap3A_922 = arith.constant 0 : index
    %swap3A_923 = arith.constant 104 : index
    %swap3A_924 = arith.constant 0 : index
    %swap3A_925 = vector.load %arg3[%swap3A_922, %swap3A_923, %swap3A_924] : memref<1x128x3968xf32, #tpu.memory_space<vmem>>, vector<1x1x3968xf32>
    %swap3A_926 = vector.shape_cast %swap3A_925 : vector<1x1x3968xf32> to vector<3968xf32>
    %swap3A_927 = vector.shape_cast %squeeze3A_921 : vector<3968xf32> to vector<1x1x3968xf32>
    tpu.vector_store %arg3[%swap3A_922, %swap3A_923, %swap3A_924], %swap3A_927 {strides = array<i32>} : memref<1x128x3968xf32, #tpu.memory_space<vmem>>, vector<1x1x3968xf32>,
    %slice3A_928 = vector.extract_strided_slice %dot_general3A_90 {offsets = [0, 22], sizes = [1, 3968], strides = [1, 1]} : vector<1x4096xf32> to vector<1x3968xf32>
    %squeeze3A_929 = vector.shape_cast %slice3A_928 : vector<1x3968xf32> to vector<3968xf32>
    %swap3A_930 = arith.constant 0 : index
    %swap3A_931 = arith.constant 105 : index
    %swap3A_932 = arith.constant 0 : index
    %swap3A_933 = vector.load %arg3[%swap3A_930, %swap3A_931, %swap3A_932] : memref<1x128x3968xf32, #tpu.memory_space<vmem>>, vector<1x1x3968xf32>
    %swap3A_934 = vector.shape_cast %swap3A_933 : vector<1x1x3968xf32> to vector<3968xf32>
    %swap3A_935 = vector.shape_cast %squeeze3A_929 : vector<3968xf32> to vector<1x1x3968xf32>
    tpu.vector_store %arg3[%swap3A_930, %swap3A_931, %swap3A_932], %swap3A_935 {strides = array<i32>} : memref<1x128x3968xf32, #tpu.memory_space<vmem>>, vector<1x1x3968xf32>,
    %slice3A_936 = vector.extract_strided_slice %dot_general3A_90 {offsets = [0, 21], sizes = [1, 3968], strides = [1, 1]} : vector<1x4096xf32> to vector<1x3968xf32>
    %squeeze3A_937 = vector.shape_cast %slice3A_936 : vector<1x3968xf32> to vector<3968xf32>
    %swap3A_938 = arith.constant 0 : index
    %swap3A_939 = arith.constant 106 : index
    %swap3A_940 = arith.constant 0 : index
    %swap3A_941 = vector.load %arg3[%swap3A_938, %swap3A_939, %swap3A_940] : memref<1x128x3968xf32, #tpu.memory_space<vmem>>, vector<1x1x3968xf32>
    %swap3A_942 = vector.shape_cast %swap3A_941 : vector<1x1x3968xf32> to vector<3968xf32>
    %swap3A_943 = vector.shape_cast %squeeze3A_937 : vector<3968xf32> to vector<1x1x3968xf32>
    tpu.vector_store %arg3[%swap3A_938, %swap3A_939, %swap3A_940], %swap3A_943 {strides = array<i32>} : memref<1x128x3968xf32, #tpu.memory_space<vmem>>, vector<1x1x3968xf32>,
    %slice3A_944 = vector.extract_strided_slice %dot_general3A_90 {offsets = [0, 20], sizes = [1, 3968], strides = [1, 1]} : vector<1x4096xf32> to vector<1x3968xf32>
    %squeeze3A_945 = vector.shape_cast %slice3A_944 : vector<1x3968xf32> to vector<3968xf32>
    %swap3A_946 = arith.constant 0 : index
    %swap3A_947 = arith.constant 107 : index
    %swap3A_948 = arith.constant 0 : index
    %swap3A_949 = vector.load %arg3[%swap3A_946, %swap3A_947, %swap3A_948] : memref<1x128x3968xf32, #tpu.memory_space<vmem>>, vector<1x1x3968xf32>
    %swap3A_950 = vector.shape_cast %swap3A_949 : vector<1x1x3968xf32> to vector<3968xf32>
    %swap3A_951 = vector.shape_cast %squeeze3A_945 : vector<3968xf32> to vector<1x1x3968xf32>
    tpu.vector_store %arg3[%swap3A_946, %swap3A_947, %swap3A_948], %swap3A_951 {strides = array<i32>} : memref<1x128x3968xf32, #tpu.memory_space<vmem>>, vector<1x1x3968xf32>,
    %slice3A_952 = vector.extract_strided_slice %dot_general3A_90 {offsets = [0, 19], sizes = [1, 3968], strides = [1, 1]} : vector<1x4096xf32> to vector<1x3968xf32>
    %squeeze3A_953 = vector.shape_cast %slice3A_952 : vector<1x3968xf32> to vector<3968xf32>
    %swap3A_954 = arith.constant 0 : index
    %swap3A_955 = arith.constant 108 : index
    %swap3A_956 = arith.constant 0 : index
    %swap3A_957 = vector.load %arg3[%swap3A_954, %swap3A_955, %swap3A_956] : memref<1x128x3968xf32, #tpu.memory_space<vmem>>, vector<1x1x3968xf32>
    %swap3A_958 = vector.shape_cast %swap3A_957 : vector<1x1x3968xf32> to vector<3968xf32>
    %swap3A_959 = vector.shape_cast %squeeze3A_953 : vector<3968xf32> to vector<1x1x3968xf32>
    tpu.vector_store %arg3[%swap3A_954, %swap3A_955, %swap3A_956], %swap3A_959 {strides = array<i32>} : memref<1x128x3968xf32, #tpu.memory_space<vmem>>, vector<1x1x3968xf32>,
    %slice3A_960 = vector.extract_strided_slice %dot_general3A_90 {offsets = [0, 18], sizes = [1, 3968], strides = [1, 1]} : vector<1x4096xf32> to vector<1x3968xf32>
    %squeeze3A_961 = vector.shape_cast %slice3A_960 : vector<1x3968xf32> to vector<3968xf32>
    %swap3A_962 = arith.constant 0 : index
    %swap3A_963 = arith.constant 109 : index
    %swap3A_964 = arith.constant 0 : index
    %swap3A_965 = vector.load %arg3[%swap3A_962, %swap3A_963, %swap3A_964] : memref<1x128x3968xf32, #tpu.memory_space<vmem>>, vector<1x1x3968xf32>
    %swap3A_966 = vector.shape_cast %swap3A_965 : vector<1x1x3968xf32> to vector<3968xf32>
    %swap3A_967 = vector.shape_cast %squeeze3A_961 : vector<3968xf32> to vector<1x1x3968xf32>
    tpu.vector_store %arg3[%swap3A_962, %swap3A_963, %swap3A_964], %swap3A_967 {strides = array<i32>} : memref<1x128x3968xf32, #tpu.memory_space<vmem>>, vector<1x1x3968xf32>,
    %slice3A_968 = vector.extract_strided_slice %dot_general3A_90 {offsets = [0, 17], sizes = [1, 3968], strides = [1, 1]} : vector<1x4096xf32> to vector<1x3968xf32>
    %squeeze3A_969 = vector.shape_cast %slice3A_968 : vector<1x3968xf32> to vector<3968xf32>
    %swap3A_970 = arith.constant 0 : index
    %swap3A_971 = arith.constant 110 : index
    %swap3A_972 = arith.constant 0 : index
    %swap3A_973 = vector.load %arg3[%swap3A_970, %swap3A_971, %swap3A_972] : memref<1x128x3968xf32, #tpu.memory_space<vmem>>, vector<1x1x3968xf32>
    %swap3A_974 = vector.shape_cast %swap3A_973 : vector<1x1x3968xf32> to vector<3968xf32>
    %swap3A_975 = vector.shape_cast %squeeze3A_969 : vector<3968xf32> to vector<1x1x3968xf32>
    tpu.vector_store %arg3[%swap3A_970, %swap3A_971, %swap3A_972], %swap3A_975 {strides = array<i32>} : memref<1x128x3968xf32, #tpu.memory_space<vmem>>, vector<1x1x3968xf32>,
    %slice3A_976 = vector.extract_strided_slice %dot_general3A_90 {offsets = [0, 16], sizes = [1, 3968], strides = [1, 1]} : vector<1x4096xf32> to vector<1x3968xf32>
    %squeeze3A_977 = vector.shape_cast %slice3A_976 : vector<1x3968xf32> to vector<3968xf32>
    %swap3A_978 = arith.constant 0 : index
    %swap3A_979 = arith.constant 111 : index
    %swap3A_980 = arith.constant 0 : index
    %swap3A_981 = vector.load %arg3[%swap3A_978, %swap3A_979, %swap3A_980] : memref<1x128x3968xf32, #tpu.memory_space<vmem>>, vector<1x1x3968xf32>
    %swap3A_982 = vector.shape_cast %swap3A_981 : vector<1x1x3968xf32> to vector<3968xf32>
    %swap3A_983 = vector.shape_cast %squeeze3A_977 : vector<3968xf32> to vector<1x1x3968xf32>
    tpu.vector_store %arg3[%swap3A_978, %swap3A_979, %swap3A_980], %swap3A_983 {strides = array<i32>} : memref<1x128x3968xf32, #tpu.memory_space<vmem>>, vector<1x1x3968xf32>,
    %slice3A_984 = vector.extract_strided_slice %dot_general3A_90 {offsets = [0, 15], sizes = [1, 3968], strides = [1, 1]} : vector<1x4096xf32> to vector<1x3968xf32>
    %squeeze3A_985 = vector.shape_cast %slice3A_984 : vector<1x3968xf32> to vector<3968xf32>
    %swap3A_986 = arith.constant 0 : index
    %swap3A_987 = arith.constant 112 : index
    %swap3A_988 = arith.constant 0 : index
    %swap3A_989 = vector.load %arg3[%swap3A_986, %swap3A_987, %swap3A_988] : memref<1x128x3968xf32, #tpu.memory_space<vmem>>, vector<1x1x3968xf32>
    %swap3A_990 = vector.shape_cast %swap3A_989 : vector<1x1x3968xf32> to vector<3968xf32>
    %swap3A_991 = vector.shape_cast %squeeze3A_985 : vector<3968xf32> to vector<1x1x3968xf32>
    tpu.vector_store %arg3[%swap3A_986, %swap3A_987, %swap3A_988], %swap3A_991 {strides = array<i32>} : memref<1x128x3968xf32, #tpu.memory_space<vmem>>, vector<1x1x3968xf32>,
    %slice3A_992 = vector.extract_strided_slice %dot_general3A_90 {offsets = [0, 14], sizes = [1, 3968], strides = [1, 1]} : vector<1x4096xf32> to vector<1x3968xf32>
    %squeeze3A_993 = vector.shape_cast %slice3A_992 : vector<1x3968xf32> to vector<3968xf32>
    %swap3A_994 = arith.constant 0 : index
    %swap3A_995 = arith.constant 113 : index
    %swap3A_996 = arith.constant 0 : index
    %swap3A_997 = vector.load %arg3[%swap3A_994, %swap3A_995, %swap3A_996] : memref<1x128x3968xf32, #tpu.memory_space<vmem>>, vector<1x1x3968xf32>
    %swap3A_998 = vector.shape_cast %swap3A_997 : vector<1x1x3968xf32> to vector<3968xf32>
    %swap3A_999 = vector.shape_cast %squeeze3A_993 : vector<3968xf32> to vector<1x1x3968xf32>
    tpu.vector_store %arg3[%swap3A_994, %swap3A_995, %swap3A_996], %swap3A_999 {strides = array<i32>} : memref<1x128x3968xf32, #tpu.memory_space<vmem>>, vector<1x1x3968xf32>,
    %slice3A_1000 = vector.extract_strided_slice %dot_general3A_90 {offsets = [0, 13], sizes = [1, 3968], strides = [1, 1]} : vector<1x4096xf32> to vector<1x3968xf32>
    %squeeze3A_1001 = vector.shape_cast %slice3A_1000 : vector<1x3968xf32> to vector<3968xf32>
    %swap3A_1002 = arith.constant 0 : index
    %swap3A_1003 = arith.constant 114 : index
    %swap3A_1004 = arith.constant 0 : index
    %swap3A_1005 = vector.load %arg3[%swap3A_1002, %swap3A_1003, %swap3A_1004] : memref<1x128x3968xf32, #tpu.memory_space<vmem>>, vector<1x1x3968xf32>
    %swap3A_1006 = vector.shape_cast %swap3A_1005 : vector<1x1x3968xf32> to vector<3968xf32>
    %swap3A_1007 = vector.shape_cast %squeeze3A_1001 : vector<3968xf32> to vector<1x1x3968xf32>
    tpu.vector_store %arg3[%swap3A_1002, %swap3A_1003, %swap3A_1004], %swap3A_1007 {strides = array<i32>} : memref<1x128x3968xf32, #tpu.memory_space<vmem>>, vector<1x1x3968xf32>,
    %slice3A_1008 = vector.extract_strided_slice %dot_general3A_90 {offsets = [0, 12], sizes = [1, 3968], strides = [1, 1]} : vector<1x4096xf32> to vector<1x3968xf32>
    %squeeze3A_1009 = vector.shape_cast %slice3A_1008 : vector<1x3968xf32> to vector<3968xf32>
    %swap3A_1010 = arith.constant 0 : index
    %swap3A_1011 = arith.constant 115 : index
    %swap3A_1012 = arith.constant 0 : index
    %swap3A_1013 = vector.load %arg3[%swap3A_1010, %swap3A_1011, %swap3A_1012] : memref<1x128x3968xf32, #tpu.memory_space<vmem>>, vector<1x1x3968xf32>
    %swap3A_1014 = vector.shape_cast %swap3A_1013 : vector<1x1x3968xf32> to vector<3968xf32>
    %swap3A_1015 = vector.shape_cast %squeeze3A_1009 : vector<3968xf32> to vector<1x1x3968xf32>
    tpu.vector_store %arg3[%swap3A_1010, %swap3A_1011, %swap3A_1012], %swap3A_1015 {strides = array<i32>} : memref<1x128x3968xf32, #tpu.memory_space<vmem>>, vector<1x1x3968xf32>,
    %slice3A_1016 = vector.extract_strided_slice %dot_general3A_90 {offsets = [0, 11], sizes = [1, 3968], strides = [1, 1]} : vector<1x4096xf32> to vector<1x3968xf32>
    %squeeze3A_1017 = vector.shape_cast %slice3A_1016 : vector<1x3968xf32> to vector<3968xf32>
    %swap3A_1018 = arith.constant 0 : index
    %swap3A_1019 = arith.constant 116 : index
    %swap3A_1020 = arith.constant 0 : index
    %swap3A_1021 = vector.load %arg3[%swap3A_1018, %swap3A_1019, %swap3A_1020] : memref<1x128x3968xf32, #tpu.memory_space<vmem>>, vector<1x1x3968xf32>
    %swap3A_1022 = vector.shape_cast %swap3A_1021 : vector<1x1x3968xf32> to vector<3968xf32>
    %swap3A_1023 = vector.shape_cast %squeeze3A_1017 : vector<3968xf32> to vector<1x1x3968xf32>
    tpu.vector_store %arg3[%swap3A_1018, %swap3A_1019, %swap3A_1020], %swap3A_1023 {strides = array<i32>} : memref<1x128x3968xf32, #tpu.memory_space<vmem>>, vector<1x1x3968xf32>,
    %slice3A_1024 = vector.extract_strided_slice %dot_general3A_90 {offsets = [0, 10], sizes = [1, 3968], strides = [1, 1]} : vector<1x4096xf32> to vector<1x3968xf32>
    %squeeze3A_1025 = vector.shape_cast %slice3A_1024 : vector<1x3968xf32> to vector<3968xf32>
    %swap3A_1026 = arith.constant 0 : index
    %swap3A_1027 = arith.constant 117 : index
    %swap3A_1028 = arith.constant 0 : index
    %swap3A_1029 = vector.load %arg3[%swap3A_1026, %swap3A_1027, %swap3A_1028] : memref<1x128x3968xf32, #tpu.memory_space<vmem>>, vector<1x1x3968xf32>
    %swap3A_1030 = vector.shape_cast %swap3A_1029 : vector<1x1x3968xf32> to vector<3968xf32>
    %swap3A_1031 = vector.shape_cast %squeeze3A_1025 : vector<3968xf32> to vector<1x1x3968xf32>
    tpu.vector_store %arg3[%swap3A_1026, %swap3A_1027, %swap3A_1028], %swap3A_1031 {strides = array<i32>} : memref<1x128x3968xf32, #tpu.memory_space<vmem>>, vector<1x1x3968xf32>,
    %slice3A_1032 = vector.extract_strided_slice %dot_general3A_90 {offsets = [0, 9], sizes = [1, 3968], strides = [1, 1]} : vector<1x4096xf32> to vector<1x3968xf32>
    %squeeze3A_1033 = vector.shape_cast %slice3A_1032 : vector<1x3968xf32> to vector<3968xf32>
    %swap3A_1034 = arith.constant 0 : index
    %swap3A_1035 = arith.constant 118 : index
    %swap3A_1036 = arith.constant 0 : index
    %swap3A_1037 = vector.load %arg3[%swap3A_1034, %swap3A_1035, %swap3A_1036] : memref<1x128x3968xf32, #tpu.memory_space<vmem>>, vector<1x1x3968xf32>
    %swap3A_1038 = vector.shape_cast %swap3A_1037 : vector<1x1x3968xf32> to vector<3968xf32>
    %swap3A_1039 = vector.shape_cast %squeeze3A_1033 : vector<3968xf32> to vector<1x1x3968xf32>
    tpu.vector_store %arg3[%swap3A_1034, %swap3A_1035, %swap3A_1036], %swap3A_1039 {strides = array<i32>} : memref<1x128x3968xf32, #tpu.memory_space<vmem>>, vector<1x1x3968xf32>,
    %slice3A_1040 = vector.extract_strided_slice %dot_general3A_90 {offsets = [0, 8], sizes = [1, 3968], strides = [1, 1]} : vector<1x4096xf32> to vector<1x3968xf32>
    %squeeze3A_1041 = vector.shape_cast %slice3A_1040 : vector<1x3968xf32> to vector<3968xf32>
    %swap3A_1042 = arith.constant 0 : index
    %swap3A_1043 = arith.constant 119 : index
    %swap3A_1044 = arith.constant 0 : index
    %swap3A_1045 = vector.load %arg3[%swap3A_1042, %swap3A_1043, %swap3A_1044] : memref<1x128x3968xf32, #tpu.memory_space<vmem>>, vector<1x1x3968xf32>
    %swap3A_1046 = vector.shape_cast %swap3A_1045 : vector<1x1x3968xf32> to vector<3968xf32>
    %swap3A_1047 = vector.shape_cast %squeeze3A_1041 : vector<3968xf32> to vector<1x1x3968xf32>
    tpu.vector_store %arg3[%swap3A_1042, %swap3A_1043, %swap3A_1044], %swap3A_1047 {strides = array<i32>} : memref<1x128x3968xf32, #tpu.memory_space<vmem>>, vector<1x1x3968xf32>,
    %slice3A_1048 = vector.extract_strided_slice %dot_general3A_90 {offsets = [0, 7], sizes = [1, 3968], strides = [1, 1]} : vector<1x4096xf32> to vector<1x3968xf32>
    %squeeze3A_1049 = vector.shape_cast %slice3A_1048 : vector<1x3968xf32> to vector<3968xf32>
    %swap3A_1050 = arith.constant 0 : index
    %swap3A_1051 = arith.constant 120 : index
    %swap3A_1052 = arith.constant 0 : index
    %swap3A_1053 = vector.load %arg3[%swap3A_1050, %swap3A_1051, %swap3A_1052] : memref<1x128x3968xf32, #tpu.memory_space<vmem>>, vector<1x1x3968xf32>
    %swap3A_1054 = vector.shape_cast %swap3A_1053 : vector<1x1x3968xf32> to vector<3968xf32>
    %swap3A_1055 = vector.shape_cast %squeeze3A_1049 : vector<3968xf32> to vector<1x1x3968xf32>
    tpu.vector_store %arg3[%swap3A_1050, %swap3A_1051, %swap3A_1052], %swap3A_1055 {strides = array<i32>} : memref<1x128x3968xf32, #tpu.memory_space<vmem>>, vector<1x1x3968xf32>,
    %slice3A_1056 = vector.extract_strided_slice %dot_general3A_90 {offsets = [0, 6], sizes = [1, 3968], strides = [1, 1]} : vector<1x4096xf32> to vector<1x3968xf32>
    %squeeze3A_1057 = vector.shape_cast %slice3A_1056 : vector<1x3968xf32> to vector<3968xf32>
    %swap3A_1058 = arith.constant 0 : index
    %swap3A_1059 = arith.constant 121 : index
    %swap3A_1060 = arith.constant 0 : index
    %swap3A_1061 = vector.load %arg3[%swap3A_1058, %swap3A_1059, %swap3A_1060] : memref<1x128x3968xf32, #tpu.memory_space<vmem>>, vector<1x1x3968xf32>
    %swap3A_1062 = vector.shape_cast %swap3A_1061 : vector<1x1x3968xf32> to vector<3968xf32>
    %swap3A_1063 = vector.shape_cast %squeeze3A_1057 : vector<3968xf32> to vector<1x1x3968xf32>
    tpu.vector_store %arg3[%swap3A_1058, %swap3A_1059, %swap3A_1060], %swap3A_1063 {strides = array<i32>} : memref<1x128x3968xf32, #tpu.memory_space<vmem>>, vector<1x1x3968xf32>,
    %slice3A_1064 = vector.extract_strided_slice %dot_general3A_90 {offsets = [0, 5], sizes = [1, 3968], strides = [1, 1]} : vector<1x4096xf32> to vector<1x3968xf32>
    %squeeze3A_1065 = vector.shape_cast %slice3A_1064 : vector<1x3968xf32> to vector<3968xf32>
    %swap3A_1066 = arith.constant 0 : index
    %swap3A_1067 = arith.constant 122 : index
    %swap3A_1068 = arith.constant 0 : index
    %swap3A_1069 = vector.load %arg3[%swap3A_1066, %swap3A_1067, %swap3A_1068] : memref<1x128x3968xf32, #tpu.memory_space<vmem>>, vector<1x1x3968xf32>
    %swap3A_1070 = vector.shape_cast %swap3A_1069 : vector<1x1x3968xf32> to vector<3968xf32>
    %swap3A_1071 = vector.shape_cast %squeeze3A_1065 : vector<3968xf32> to vector<1x1x3968xf32>
    tpu.vector_store %arg3[%swap3A_1066, %swap3A_1067, %swap3A_1068], %swap3A_1071 {strides = array<i32>} : memref<1x128x3968xf32, #tpu.memory_space<vmem>>, vector<1x1x3968xf32>,
    %slice3A_1072 = vector.extract_strided_slice %dot_general3A_90 {offsets = [0, 4], sizes = [1, 3968], strides = [1, 1]} : vector<1x4096xf32> to vector<1x3968xf32>
    %squeeze3A_1073 = vector.shape_cast %slice3A_1072 : vector<1x3968xf32> to vector<3968xf32>
    %swap3A_1074 = arith.constant 0 : index
    %swap3A_1075 = arith.constant 123 : index
    %swap3A_1076 = arith.constant 0 : index
    %swap3A_1077 = vector.load %arg3[%swap3A_1074, %swap3A_1075, %swap3A_1076] : memref<1x128x3968xf32, #tpu.memory_space<vmem>>, vector<1x1x3968xf32>
    %swap3A_1078 = vector.shape_cast %swap3A_1077 : vector<1x1x3968xf32> to vector<3968xf32>
    %swap3A_1079 = vector.shape_cast %squeeze3A_1073 : vector<3968xf32> to vector<1x1x3968xf32>
    tpu.vector_store %arg3[%swap3A_1074, %swap3A_1075, %swap3A_1076], %swap3A_1079 {strides = array<i32>} : memref<1x128x3968xf32, #tpu.memory_space<vmem>>, vector<1x1x3968xf32>,
    %slice3A_1080 = vector.extract_strided_slice %dot_general3A_90 {offsets = [0, 3], sizes = [1, 3968], strides = [1, 1]} : vector<1x4096xf32> to vector<1x3968xf32>
    %squeeze3A_1081 = vector.shape_cast %slice3A_1080 : vector<1x3968xf32> to vector<3968xf32>
    %swap3A_1082 = arith.constant 0 : index
    %swap3A_1083 = arith.constant 124 : index
    %swap3A_1084 = arith.constant 0 : index
    %swap3A_1085 = vector.load %arg3[%swap3A_1082, %swap3A_1083, %swap3A_1084] : memref<1x128x3968xf32, #tpu.memory_space<vmem>>, vector<1x1x3968xf32>
    %swap3A_1086 = vector.shape_cast %swap3A_1085 : vector<1x1x3968xf32> to vector<3968xf32>
    %swap3A_1087 = vector.shape_cast %squeeze3A_1081 : vector<3968xf32> to vector<1x1x3968xf32>
    tpu.vector_store %arg3[%swap3A_1082, %swap3A_1083, %swap3A_1084], %swap3A_1087 {strides = array<i32>} : memref<1x128x3968xf32, #tpu.memory_space<vmem>>, vector<1x1x3968xf32>,
    %slice3A_1088 = vector.extract_strided_slice %dot_general3A_90 {offsets = [0, 2], sizes = [1, 3968], strides = [1, 1]} : vector<1x4096xf32> to vector<1x3968xf32>
    %squeeze3A_1089 = vector.shape_cast %slice3A_1088 : vector<1x3968xf32> to vector<3968xf32>
    %swap3A_1090 = arith.constant 0 : index
    %swap3A_1091 = arith.constant 125 : index
    %swap3A_1092 = arith.constant 0 : index
    %swap3A_1093 = vector.load %arg3[%swap3A_1090, %swap3A_1091, %swap3A_1092] : memref<1x128x3968xf32, #tpu.memory_space<vmem>>, vector<1x1x3968xf32>
    %swap3A_1094 = vector.shape_cast %swap3A_1093 : vector<1x1x3968xf32> to vector<3968xf32>
    %swap3A_1095 = vector.shape_cast %squeeze3A_1089 : vector<3968xf32> to vector<1x1x3968xf32>
    tpu.vector_store %arg3[%swap3A_1090, %swap3A_1091, %swap3A_1092], %swap3A_1095 {strides = array<i32>} : memref<1x128x3968xf32, #tpu.memory_space<vmem>>, vector<1x1x3968xf32>,
    %slice3A_1096 = vector.extract_strided_slice %dot_general3A_90 {offsets = [0, 1], sizes = [1, 3968], strides = [1, 1]} : vector<1x4096xf32> to vector<1x3968xf32>
    %squeeze3A_1097 = vector.shape_cast %slice3A_1096 : vector<1x3968xf32> to vector<3968xf32>
    %swap3A_1098 = arith.constant 0 : index
    %swap3A_1099 = arith.constant 126 : index
    %swap3A_1100 = arith.constant 0 : index
    %swap3A_1101 = vector.load %arg3[%swap3A_1098, %swap3A_1099, %swap3A_1100] : memref<1x128x3968xf32, #tpu.memory_space<vmem>>, vector<1x1x3968xf32>
    %swap3A_1102 = vector.shape_cast %swap3A_1101 : vector<1x1x3968xf32> to vector<3968xf32>
    %swap3A_1103 = vector.shape_cast %squeeze3A_1097 : vector<3968xf32> to vector<1x1x3968xf32>
    tpu.vector_store %arg3[%swap3A_1098, %swap3A_1099, %swap3A_1100], %swap3A_1103 {strides = array<i32>} : memref<1x128x3968xf32, #tpu.memory_space<vmem>>, vector<1x1x3968xf32>,
    %slice3A_1104 = vector.extract_strided_slice %dot_general3A_90 {offsets = [0, 0], sizes = [1, 3968], strides = [1, 1]} : vector<1x4096xf32> to vector<1x3968xf32>
    %squeeze3A_1105 = vector.shape_cast %slice3A_1104 : vector<1x3968xf32> to vector<3968xf32>
    %swap3A_1106 = arith.constant 0 : index
    %swap3A_1107 = arith.constant 127 : index
    %swap3A_1108 = arith.constant 0 : index
    %swap3A_1109 = vector.load %arg3[%swap3A_1106, %swap3A_1107, %swap3A_1108] : memref<1x128x3968xf32, #tpu.memory_space<vmem>>, vector<1x1x3968xf32>
    %swap3A_1110 = vector.shape_cast %swap3A_1109 : vector<1x1x3968xf32> to vector<3968xf32>
    %swap3A_1111 = vector.shape_cast %squeeze3A_1105 : vector<3968xf32> to vector<1x1x3968xf32>
    tpu.vector_store %arg3[%swap3A_1106, %swap3A_1107, %swap3A_1108], %swap3A_1111 {strides = array<i32>} : memref<1x128x3968xf32, #tpu.memory_space<vmem>>, vector<1x1x3968xf32>,
    return
  }
  func.func @transform_0(%arg0: i32) -> i32 {
    %c0_i32 = arith.constant 0 : i32
    %c0_i32_0 = arith.constant 0 : i32
    return %c0_i32 : i32
  }
  func.func @transform_1(%arg0: i32) -> (i32, i32) {
    %c0_i32 = arith.constant 0 : i32
    %c0_i32_0 = arith.constant 0 : i32
    %c0_i32_1 = arith.constant 0 : i32
    return %c0_i32, %c0_i32_0 : i32, i32
  }
  func.func @transform_2(%arg0: i32) -> (i32, i32, i32) {
    %c0_i32 = arith.constant 0 : i32
    %c0_i32_0 = arith.constant 0 : i32
    %c0_i32_1 = arith.constant 0 : i32
    return %arg0, %c0_i32, %c0_i32_0 : i32, i32, i32
  }
}

</mosaic_0001>

<sc_bundles>
// kernel: kernel.4.cloned.1.call-start
scs
__scs_entry_jumppad:
0x0: {  	(pc) =	sbr.rel $0x88, $3  }
0x1: {  	(tag) =	ssettag $0x0;
	lr =	simm.s32 $0x1  }
0x2: {  	[smem:$0x3F9E] =	sst lr;
	_ =	strace $0xD0000000  }
0x3: {  	_ = 	snop  }
0x4: {  	_ = 	snop  }
0x5: {  	_ = 	snop  }
0x6: {  	_ = 	snop  }
0x7: {  	_ = 	snop  }
__scs_overlays_trampoline_lowered:
0x8: {  	[smem:$0x3FAD] =	sst s0  }
0x9: {  	[smem:$0x3FAE] =	sst s1  }
0xa: {  	[smem:$0x3FAF] =	sst s2  }
0xb: {  	[smem:$0x3FB0] =	sst s3  }
0xc: {  	[smem:$0x3FB1] =	sst s4  }
0xd: {  	[smem:$0x3FB2] =	sst s5  }
0xe: {  	[smem:$0x3FB3] =	sst s6  }
0xf: {  	[smem:$0x3FB4] =	sst s7  }
0x10: {  	[smem:$0x3FB5] =	sst s8  }
0x11: {  	[smem:$0x3FB6] =	sst s9;
	s0 =	simm.s32 @!p0 $0x0  }
0x12: {  	s1 =	sld [smem:$0x3F9C];
	s0 =	simm.s32 @p0 $0x1  }
0x13: {  	[smem:$0x3FB7] =	sst s0;
	s0 =	simm.s32 @!p1 $0x0  }
0x14: {  	s2 =	sld [smem:$0x3F9B];
	s0 =	simm.s32 @p1 $0x1  }
0x15: {  	[smem:$0x3FB8] =	sst s0;
	s0 =	simm.s32 @!p2 $0x0  }
0x16: {  	s3 =	sld [smem:$0x3FDB];
	s0 =	simm.s32 @p2 $0x1  }
0x17: {  	s4 =	simm.s32 $0x1BF5;
	[smem:$0x3FBA] =	sst s0  }
0x18: {  	s0 =	sld [smem:$0x3F9D];
	_ =	swait.ge [sflag:s4], $0x0  }
0x19: {  	s7 =	sld [smem:$0x3F9E]  }
0x1a: {  	s8 =	sadd.s32 $0xFFFFE003, lr  }
0x1b: {  	s9 =	sadd.s32 $0xFFFFFEF7, lr;
	s5 =	simm.s32 $0xFFFFFFFF;
	p2 =	slt.u32 s8, $0xFFFFF086  }
0x1c: {  	p1 =	slt.u32 s9, $0xF7A;
	s5 =	simm.s32 @!p2 $0x0  }
0x1d: {  	s5 =	simm.s32 @p1 $0x1;
	p0 =	seq.s32 s7, s2  }
0x1e: {  	s7 =	smul.u32 @!p0 $0xF7A, s2;
	p2 =	seq.s32 @!p0 s5, $0x0  }
0x1f: {  	s9 =	smul.u32 $0xF7A, s1;
	s8 =	simm.s32 @!p0 $0x1BF5;
	p2 =	por !p2, p0  }
0x20: {  	[sflag:s8] =	ssyncset.s32 @!p0 $0xFFFFF086;
	s6 =	sadd.s32 @!p0 s3, s7;
	s7 =	simm.s32 @!p0 $0x108  }
0x21: {  	s3 =	sadd.s32 s3, s9;
	s6 =	sadd.s32 @!p0 $0x88, s6;
	s7 =	simm.s32 @p2 $0x1082  }
0x22: {  	[simem:s7], [sflag:s8] =	dma.local @!p0 [hbm:s6], $0xF7A  }
0x23: {  	s9 =	sor.u32 $0xD0000000, s2;
	s6 =	simm.s32 $0x108;
	_ =	swait.ge @!p0 [sflag:s8], $0x0  }
0x24: {  	s3 =	sadd.s32 $0x88, s3;
	s6 =	simm.s32 @!p1 $0x1082;
	[sflag:s4] =	ssyncset.s32 $0xFFFFF086  }
0x25: {  	[simem:s6], [sflag:s4] =	dma.local [hbm:s3], $0xF7A  }
0x26: {  	[smem:$0x3F9E] =	sst s1;
	(tag) =	ssettag s2;
	_ =	strace s9  }
0x27: {  	s1 =	sld [smem:$0x3FAE]  }
0x28: {  	s2 =	sld [smem:$0x3FAF]  }
0x29: {  	s4 =	sld [smem:$0x3FB1]  }
0x2a: {  	p0 =	seq.s32 s5, $0x0;
	s5 =	sld [smem:$0x3FB2]  }
0x2b: {  	s6 =	sld [smem:$0x3FB3]  }
0x2c: {  	s7 =	sld [smem:$0x3FB4]  }
0x2d: {  	s3 =	simm.s32 $0x108;
	s8 =	sld [smem:$0x3FB5]  }
0x2e: {  	s3 =	simm.s32 @!p0 $0x1082;
	s9 =	sld [smem:$0x3FB6]  }
0x2f: {  	lr =	sadd.s32 s0, s3;
	s0 =	sld [smem:$0x3FAD]  }
0x30: {  	s3 =	sld [smem:$0x3FB0]  }
0x31: {  	[smem:$0x3FB9] =	sst s10  }
0x32: {  	s10 =	sld [smem:$0x3FB7];
	_ =	sdelay $0x3  }
0x33: {  	p0 =	seq.s32 s10, $0x1;
	s10 =	sld [smem:$0x3FB9];
	_ =	sdelay $0x3  }
0x34: {  	[smem:$0x3FB9] =	sst s10  }
0x35: {  	s10 =	sld [smem:$0x3FB8];
	_ =	sdelay $0x3  }
0x36: {  	p1 =	seq.s32 s10, $0x1;
	s10 =	sld [smem:$0x3FB9];
	_ =	sdelay $0x3  }
0x37: {  	[smem:$0x3FB9] =	sst s10  }
0x38: {  	s10 =	sld [smem:$0x3FBA]  }
0x39: {  	_ = 	snop;
	(pc) =	sbr.ind lr, $3  }
0x3a: {  	_ = 	snop  }
0x3b: {  	_ = 	snop  }
0x3c: {  	p2 =	seq.s32 s10, $0x1;
	s10 =	sld [smem:$0x3FB9]  }
0x3d: {  	_ =	shalt  }
0x3e: {  	_ =	shalt  }
0x3f: {  	_ =	shalt  }
0x40: {  	_ =	shalt  }
0x41: {  	_ =	shalt  }
0x42: {  	_ =	shalt  }
0x43: {  	_ =	shalt  }
0x44: {  	_ =	shalt  }
0x45: {  	_ =	shalt  }
0x46: {  	_ =	shalt  }
0x47: {  	_ =	shalt  }
0x48: {  	_ =	shalt  }
0x49: {  	_ =	shalt  }
0x4a: {  	_ =	shalt  }
0x4b: {  	_ =	shalt  }
0x4c: {  	_ =	shalt  }
0x4d: {  	_ =	shalt  }
0x4e: {  	_ =	shalt  }
0x4f: {  	_ =	shalt  }
0x50: {  	_ =	shalt  }
0x51: {  	_ =	shalt  }
0x52: {  	_ =	shalt  }
0x53: {  	_ =	shalt  }
0x54: {  	_ =	shalt  }
0x55: {  	_ =	shalt  }
0x56: {  	_ =	shalt  }
0x57: {  	_ =	shalt  }
0x58: {  	_ =	shalt  }
0x59: {  	_ =	shalt  }
0x5a: {  	_ =	shalt  }
0x5b: {  	_ =	shalt  }
0x5c: {  	_ =	shalt  }
0x5d: {  	_ =	shalt  }
0x5e: {  	_ =	shalt  }
0x5f: {  	_ =	shalt  }
0x60: {  	_ =	shalt  }
0x61: {  	_ =	shalt  }
0x62: {  	_ =	shalt  }
0x63: {  	_ =	shalt  }
0x64: {  	_ =	shalt  }
0x65: {  	_ =	shalt  }
0x66: {  	_ =	shalt  }
0x67: {  	_ =	shalt  }
0x68: {  	_ =	shalt  }
0x69: {  	_ =	shalt  }
0x6a: {  	_ =	shalt  }
0x6b: {  	_ =	shalt  }
0x6c: {  	_ =	shalt  }
0x6d: {  	_ =	shalt  }
0x6e: {  	_ =	shalt  }
0x6f: {  	_ =	shalt  }
0x70: {  	_ =	shalt  }
0x71: {  	_ =	shalt  }
0x72: {  	_ =	shalt  }
0x73: {  	_ =	shalt  }
0x74: {  	_ =	shalt  }
0x75: {  	_ =	shalt  }
0x76: {  	_ =	shalt  }
0x77: {  	_ =	shalt  }
0x78: {  	_ =	shalt  }
0x79: {  	_ =	shalt  }
0x7a: {  	_ =	shalt  }
0x7b: {  	_ =	shalt  }
0x7c: {  	_ =	shalt  }
0x7d: {  	_ =	shalt  }
0x7e: {  	_ =	shalt  }
0x7f: {  	_ =	shalt  }
0x80: {  	_ =	shalt  }
0x81: {  	_ =	shalt  }
0x82: {  	_ =	shalt  }
0x83: {  	_ =	shalt  }
0x84: {  	_ =	shalt  }
0x85: {  	_ =	shalt  }
0x86: {  	_ =	shalt  }
0x87: {  	_ =	shalt  }
.Lfunc_end0:
.L_simem_size_0:
called_computation_lowered:
.L_overlay_start_0:
0x88: {  	s2 =	sld [smem:$0x3FD9]  }
0x89: {  	s3 =	sld [smem:$0x3FFE];
	_ =	sdelay $0x1  }
0x8a: {  	s1 =	srdreg.scid  }
0x8b: {  	s0 =	sand.u32 $0x1, s1  }
0x8c: {  	s17 =	sshll.u32 s0, $0xA;
	s2 =	sadd.s32 s3, s2  }
0x8d: {  	s2 =	sadd.s32 s2, s17  }
0x8e: {  	[smem:$0x3FC5] =	sst s2  }
0x8f: {  	_ = 	snop  }
0x90: {  	s2 =	sld [smem:$0x3FD0];
	(tm) =	ssettm $0x1  }
0x91: {  	s18 =	sld [smem:$0x3FFB];
	_ =	sdelay $0x3  }
0x92: {  	_ =	strace s18  }
0x93: {  	s3 =	sld [smem:$0x3FFC];
	_ =	sdelay $0x3  }
0x94: {  	_ =	strace s3  }
0x95: {  	s3 =	sld [smem:$0x3FFD];
	_ =	sdelay $0x3  }
0x96: {  	_ =	strace s3  }
0x97: {  	_ =	strace $0x8FFFFFFF  }
0x98: {  	s19 =	sld [smem:$0x3FDB];
	_ =	sdelay $0x1  }
0x99: {  	s4 =	simm.s32 $_scs_section_size  }
0x9a: {  	s5 =	simm.s32 $_size__tile_overlayer_lowered;
	s6 =	simm.s32 $_tile_overlayer_lowered  }
0x9b: {  	s22 =	simm.s32 $0x1BFF;
	s21 =	sshll.u32 s6, $0x1;
	s3 =	sadd.s32 s4, s19  }
0x9c: {  	s7 =	simm.s32 $0x0;
	s20 =	sshll.u32 s5, $0x1;
	s5 =	sadd.s32 s21, s3  }
0x9d: {  	[timem:s7], [sflag:s22] =	dma.local [hbm:s5], s20  }
0x9e: {  	_ =	swait.ge [sflag:s22], s20  }
0x9f: {  	s4 =	ssub.s32 $0x0, s20;
	[sflag:s22] =	ssyncset.done $0x0  }
0xa0: {  	[sflag:s22] =	ssyncadd.s32 s4;
	_ =	sdelay $0x1  }
0xa1: {  	s23 =	simm.s32 $0x1B8B  }
0xa2: {  	_ =	swait.ge [sflag:s23], $0x1  }
0xa3: {  	[sflag:s23] =	ssyncset.done $0x0  }
0xa4: {  	s25 =	simm.s32 $0x1B8E;
	s24 =	sld [smem:$0x3FFE];
	[sflag:s23] =	ssyncadd.s32 $0xFFFFFFFF  }
0xa5: {  	s26 =	simm.s32 $execute0_lowered;
	[smem:$0x3FD2] =	sst s25  }
0xa6: {  	s5 =	sshll.u32 s26, $0x1;
	_ =	strace $0x80000046;
	[dreg:$0x1] =	wrdreg $0xFFFFFFFF  }
0xa7: {  	s28 =	simm.s32 $_size_execute0_lowered;
	s3 =	sadd.s32 s3, s5;
	[dreg:$0x0] =	wrdreg $0x0  }
0xa8: {  	s5 =	sshll.u32 s28, $0x1;
	[dreg:$0x2] =	wrdreg s3  }
0xa9: {  	[dreg:$0x3] =	wrdreg s5  }
0xaa: {  	[dreg:$0x4] =	wrdreg $0xC0  }
0xab: {  	_ =	task [dreg:s7], $0x5FFFF  }
0xac: {  	[dreg:$0x1] =	wrdreg $0xFFFFFFFF  }
0xad: {  	[dreg:$0x0] =	wrdreg $0x60  }
0xae: {  	[dreg:$0x2] =	wrdreg s24  }
0xaf: {  	[dreg:$0x3] =	wrdreg s2  }
0xb0: {  	[dreg:$0x4] =	wrdreg $0x0  }
0xb1: {  	[dreg:$0x5] =	wrdreg $0x7C000  }
0xb2: {  	[dreg:$0x6] =	wrdreg $0xF8000  }
0xb3: {  	[dreg:$0x7] =	wrdreg $0x174000  }
0xb4: {  	[dreg:$0x8] =	wrdreg $0x9  }
0xb5: {  	_ =	task.clear_ibuf [dreg:s7], $0x9FFFF;
	_ =	strace $0x90000046  }
0xb6: {  	s29 =	simm.s32 $0x9;
	_ =	strace $0x80000048  }
0xb7: {  	_ =	swait.ge [sflag:s29], $0x1  }
0xb8: {  	[sflag:s29] =	ssyncadd.s32 $0xFFFFFFFF  }
0xb9: {  	_ =	strace $0x90000048  }
0xba: {  	_ =	sfence  }
0xbb: {  	s30 =	sld [smem:$0x0];
	_ =	sdelay $0x2  }
0xbc: {  	s31 =	sshll.u32 s1, $0xD;
	s1 =	sshrl.u32 s1, $0x2  }
0xbd: {  	s3 =	sand.u32 $0x4000, s31;
	s1 =	sadd.s32 s1, s30  }
0xbe: {  	s0 =	sor.u32 s3, s0;
	s1 =	sshll.u32 s1, $0x11  }
0xbf: {  	s0 =	sor.u32 s1, s0  }
0xc0: {  	s0 =	sadd.s32 $0x8F2B, s0  }
0xc1: {  	[sflag:s0] =	ssyncadd.remote.s32 $0x1  }
0xc2: {  	_ =	sfence.sel $0xFFFF  }
0xc3: {  	[dreg:$0x0] =	wrdreg $0xFFFFFFFF;
	(pc) =	sbr.abs _section_cstart, $3  }
0xc4: {  	[dreg:$0x1] =	wrdreg $0xFFFFFFFF  }
0xc5: {  	_ =	task.clear_ibuf [dreg:s7], $0x2FFFF;
	_ =	strace $0x9FFFFFFF  }
0xc6: {  	(tm) =	ssettm $0x7FFFFFFF  }
0xc7: {  	_ =	shalt  }
tec
execute0_lowered:
.L_overlay_start_1:
0x0: {  	(tag) =	ssettag $0x1  }
0x1: {  	s2 =	rddreg [dreg:$0x0]  }
0x2: {  	s3 =	rddreg [dreg:$0x1]  }
0x3: {  	s6 =	rddreg [dreg:$0x2]  }
0x4: {  	s7 =	rddreg [dreg:$0x3]  }
0x5: {  	s1 =	rddreg [dreg:$0x4]  }
0x6: {  	s0 =	rddreg [dreg:$0x5];
	s4 =	srdreg.scid  }
0x7: {  	s5 =	simm.s32 $0x0;
	s13 =	stileid.u32;
	p1 =	por $0x0, $0x0  }
0x8: {  	s4 =	sand.u32 $0x1, s4;
	[smem:$0x7FF] =	sst s5;
	s2 =	sadd.s32 $0x600, s2  }
0x9: {  	s26 =	sshll.u32 s13, $0xF;
	s11 =	sadd.s32 $0x200000, s3;
	s25 =	smul.u32 $0x3E0000, s4  }
0xa: {  	s8 =	smul.u32 $0x7C000, s4;
	s9 =	ssub.s32 $0x2, s4;
	s4 =	sshll.u32 s4, $0x16  }
0xb: {  	s18 =	sshll.u32 s13, $0xA;
	_ =	strace $0x80000047;
	s20 =	sadd.s32 s4, s11  }
0xc: {  	s28 =	sor.u32 s26, s4;
	s8 =	sadd.s32 s2, s8;
	[dreg:$0xf] =	wrdreg s20  }
0xd: {  	s31 =	sadd.s32 s3, s28;
	s17 =	sadd.s32 s28, s11;
	[dreg:$0x7] =	wrdreg s8  }
0xe: {  	p0 =	sne.s32 s13, $0x0;
	s15 =	sadd.s32 $0x100000, s31;
	[dreg:$0xd] =	wrdreg s17  }
0xf: {  	s3 =	sadd.s32 $0x300000, s3;
	s22 =	sadd.s32 $0x280000, s31;
	[dreg:$0xb] =	wrdreg s15  }
0x10: {  	s10 =	sshrl.u32 s9, $0x1;
	s23 =	sadd.s32 s4, s3;
	[dreg:$0x11] =	wrdreg s22  }
0x11: {  	s5 =	sshrl.u32 s25, $0x3;
	s26 =	sadd.s32 $0x380000, s31;
	[dreg:$0x14] =	wrdreg s23  }
0x12: {  	s9 =	ssub.s32 s9, s10;
	s2 =	sadd.s32 s2, s5;
	[dreg:$0x15] =	wrdreg s26  }
0x13: {  	s11 =	sshrl.u32 @!p0 s1, $0x3;
	s5 =	sadd.s32 $0xF800, s2;
	s26 =	rddreg [dreg:$0x7]  }
0x14: {  	s10 =	sadd.s32 $0x180000, s31;
	s12 =	sadd.s32 $0x1F000, s2;
	[dreg:$0x8] =	wrdreg s5  }
0x15: {  	s4 =	simm.s32 $0x800;
	s14 =	sadd.s32 $0x2E800, s2;
	[dreg:$0x9] =	wrdreg s12  }
0x16: {  	s8 =	sshrl.u32 @!p0 s0, $0x3;
	s16 =	sadd.s32 $0x3E000, s2;
	[dreg:$0xa] =	wrdreg s14  }
0x17: {  	s19 =	sadd.s32 $0x4D800, s2;
	s21 =	sadd.s32 $0x5D000, s2;
	[dreg:$0xc] =	wrdreg s16  }
0x18: {  	s2 =	sadd.s32 $0x6C800, s2;
	s12 =	sxor.u32 $0x3C00, s18;
	[dreg:$0xe] =	wrdreg s19  }
0x19: {  	[dreg:$0x10] =	wrdreg s21;
	s19 =	sadd.s32 $0x80000, s31;
	s5 =	sadd.s32 s28, s3  }
0x1a: {  	[dreg:$0x13] =	wrdreg s2;
	s28 =	smax.u32 s9, $0x1;
	s3 =	simm.s32 $0x80  }
0x1b: {  	s2 =	simm.s32 $0x5;
	s16 =	sadd.s32 s12, s6;
	s25 =	sadd.s32 s12, s7  }
0x1c: {  	s24 =	sadd.s32 s12, s1;
	s29 =	sadd.s32 s12, s0;
	s12 =	sadd.s32 $0xFFFFFFFF, s28  }
0x1d: {  	s18 =	sshrl.u32 @!p0 s6, $0x3;
	s14 =	sshrl.u32 @!p0 s7, $0x3;
	p2 =	sne.s32 s12, $0x0  }
.Ltmp0:
0x1e: {  	[dreg:$0x12] =	wrdreg s5;
	s0 =	sshrl.u32 @p0 s29, $0x3;
	(pc) =	sbr.rel @!p2 .LBB2_1-.Ltmp0, $4  }
0x1f: {  	s5 =	simm.s32 $0xF80;
	s1 =	sshrl.u32 @!p0 s16, $0x3;
	[dreg:$0x19] =	wrdreg s0  }
0x20: {  	s7 =	sshrl.u32 @p0 s25, $0x3;
	s9 =	sshrl.u32 @!p0 s29, $0x3;
	[dreg:$0x16] =	wrdreg s1  }
0x21: {  	s20 =	sshrl.u32 @!p0 s25, $0x3;
	s23 =	sshrl.u32 @p0 s16, $0x3;
	[dreg:$0x17] =	wrdreg s9  }
0x22: {  	s21 =	sshrl.u32 @p0 s24, $0x3;
	s30 =	sshrl.u32 @!p0 s24, $0x3;
	[dreg:$0x18] =	wrdreg s23  }
0x23: {  	s0 =	simm.s32 @!p0 $0x1C01  }
0x24: {  	[spmem:s18], [sflag:s0] =	dma.local @!p0 [hbm:s26], $0xF800  }
0x25: {  	s6 =	simm.s32 @!p0 $0x1C02;
	s28 =	simm.s32 @!p0 $0x1;
	s0 =	rddreg [dreg:$0x8]  }
0x26: {  	[spmem:s14], [sflag:s6] =	dma.local @!p0 [hbm:s0], $0xF800  }
0x27: {  	_ =	swait.ge @!p0 [sflag:s28], $0xF800  }
0x28: {  	[sflag:s28] =	ssyncset.done @!p0 $0x0  }
0x29: {  	[smem:$0x7FD] =	sst s29;
	[sflag:s28] =	ssyncadd.s32 @!p0 $0xFFFF0800  }
0x2a: {  	s15 =	sshll.u32 s13, $0x6;
	s13 =	simm.s32 @p0 $0x80;
	[bflag:$0x0] =	sbarrier.arrive $0xFFFF  }
0x2b: {  	s26 =	smov.u32 s25;
	[smem:$0x7F8] =	sst s16;
	s16 =	sshrl.u32 s16, $0x3  }
0x2c: {  	s25 =	smov.u32 s30;
	s30 =	sor.u32 $0x1C05, s15;
	[dreg:$0x1b] =	wrdreg s16  }
0x2d: {  	[hbm:s31@s4], [sflag:s30] =	dma.strided [spmem:s16@s5], $0x8000, s3, $0x10   }
0x2e: {  	s0 =	simm.s32 @p0 $0x800;
	s29 =	simm.s32 @p0 $0xF80;
	[bflag:$0x0] =	sbarrier.arrive @p0 $0xFFFF  }
0x2f: {  	[hbm:s19@s0], [sflag:s30] =	dma.strided @p0 [spmem:s7@s29], $0x8000, s13, $0x10   }
0x30: {  	[dreg:$0x1a] =	wrdreg s7  }
0x31: {  	s15 =	simm.s32 @!p0 $0x1C03;
	s6 =	simm.s32 @!p0 $0x2;
	s7 =	rddreg [dreg:$0x9]  }
0x32: {  	[spmem:s11], [sflag:s15] =	dma.local @!p0 [hbm:s7], $0xF800  }
0x33: {  	_ =	swait.ge @!p0 [sflag:s6], $0xF800  }
0x34: {  	[sflag:s6] =	ssyncset.done @!p0 $0x0  }
0x35: {  	s22 =	simm.s32 @!p0 $0xF80;
	[dreg:$0x1c] =	wrdreg s31;
	[sflag:s6] =	ssyncadd.s32 @!p0 $0xFFFF0800  }
0x36: {  	s16 =	simm.s32 @!p0 $0x800;
	s7 =	simm.s32 @!p0 $0x80;
	[bflag:$0x0] =	sbarrier.arrive @!p0 $0xFFFF  }
0x37: {  	[hbm:s19@s16], [sflag:s30] =	dma.strided @!p0 [spmem:s20@s22], $0x8000, s7, $0x10   }
0x38: {  	s17 =	smov.u32 s21;
	s21 =	simm.s32 @!p0 $0x1C04;
	[dreg:$0x1e] =	wrdreg s20  }
0x39: {  	s31 =	smov.u32 s12;
	s12 =	simm.s32 @!p0 $0x3;
	s15 =	rddreg [dreg:$0xa]  }
0x3a: {  	[spmem:s8], [sflag:s21] =	dma.local @!p0 [hbm:s15], $0xF800  }
0x3b: {  	_ =	swait.ge @!p0 [sflag:s12], $0xF800  }
0x3c: {  	[sflag:s12] =	ssyncset.done @!p0 $0x0  }
0x3d: {  	[sflag:s12] =	ssyncadd.s32 @!p0 $0xFFFF0800  }
0x3e: {  	_ =	swait.ge [sflag:s2], $0x8000  }
0x3f: {  	[sflag:s2] =	ssyncset.done $0x0  }
0x40: {  	[sflag:s2] =	ssyncadd.s32 $0xFFFF8000  }
0x41: {  	[bflag:$0x0] =	sbarrier.arrive $0xFFFF  }
0x42: {  	s21 =	rddreg [dreg:$0xb]  }
0x43: {  	[smem:$0x7F9] =	sst s24;
	s24 =	sshrl.u32 s24, $0x3  }
0x44: {  	s15 =	simm.s32 @p0 $0x5;
	[dreg:$0x1f] =	wrdreg s24  }
0x45: {  	[hbm:s21@s4], [sflag:s30] =	dma.strided [spmem:s24@s5], $0x8000, s3, $0x10   }
0x46: {  	_ =	swait.ge @p0 [sflag:s15], $0x8000  }
0x47: {  	[sflag:s15] =	ssyncset.done @p0 $0x0  }
0x48: {  	[sflag:s15] =	ssyncadd.s32 @p0 $0xFFFF8000  }
0x49: {  	[bflag:$0x0] =	sbarrier.arrive @p0 $0xFFFF  }
0x4a: {  	s20 =	rddreg [dreg:$0x19]  }
0x4b: {  	[hbm:s10@s0], [sflag:s30] =	dma.strided @p0 [spmem:s20@s29], $0x8000, s13, $0x10   }
0x4c: {  	_ =	swait.ge @p0 [sflag:s15], $0x8000  }
0x4d: {  	[sflag:s15] =	ssyncset.done @p0 $0x0  }
0x4e: {  	[sflag:s15] =	ssyncadd.s32 @p0 $0xFFFF8000  }
0x4f: {  	[bflag:$0x0] =	sbarrier.arrive @p0 $0xFFFF  }
0x50: {  	s20 =	rddreg [dreg:$0xd]  }
0x51: {  	[hbm:s20@s0], [sflag:s30] =	dma.strided @p0 [spmem:s23@s29], $0x8000, s13, $0x10   }
0x52: {  	s24 =	simm.s32 @!p0 $0x1C01;
	s20 =	simm.s32 @!p0 $0x4;
	s21 =	rddreg [dreg:$0xc]  }
0x53: {  	[spmem:s18], [sflag:s24] =	dma.local @!p0 [hbm:s21], $0xF800  }
0x54: {  	_ =	swait.ge @!p0 [sflag:s20], $0xF800  }
0x55: {  	[sflag:s20] =	ssyncset.done @!p0 $0x0  }
0x56: {  	s21 =	simm.s32 @!p0 $0x5;
	[sflag:s20] =	ssyncadd.s32 @!p0 $0xFFFF0800  }
0x57: {  	_ =	swait.ge @!p0 [sflag:s21], $0x8000  }
0x58: {  	[sflag:s21] =	ssyncset.done @!p0 $0x0  }
0x59: {  	[sflag:s21] =	ssyncadd.s32 @!p0 $0xFFFF8000  }
0x5a: {  	[bflag:$0x0] =	sbarrier.arrive @!p0 $0xFFFF  }
0x5b: {  	[hbm:s10@s16], [sflag:s30] =	dma.strided @!p0 [spmem:s9@s22], $0x8000, s7, $0x10   }
0x5c: {  	s9 =	simm.s32 @!p0 $0x1C02;
	s23 =	rddreg [dreg:$0xe]  }
0x5d: {  	[spmem:s14], [sflag:s9] =	dma.local @!p0 [hbm:s23], $0xF800  }
0x5e: {  	_ =	swait.ge @!p0 [sflag:s28], $0xF800  }
0x5f: {  	[sflag:s28] =	ssyncset.done @!p0 $0x0  }
0x60: {  	[sflag:s28] =	ssyncadd.s32 @!p0 $0xFFFF0800  }
0x61: {  	_ =	swait.ge @!p0 [sflag:s21], $0x8000  }
0x62: {  	[sflag:s21] =	ssyncset.done @!p0 $0x0  }
0x63: {  	[sflag:s21] =	ssyncadd.s32 @!p0 $0xFFFF8000  }
0x64: {  	[bflag:$0x0] =	sbarrier.arrive @!p0 $0xFFFF  }
0x65: {  	s23 =	rddreg [dreg:$0xf]  }
0x66: {  	[hbm:s23@s16], [sflag:s30] =	dma.strided @!p0 [spmem:s1@s22], $0x8000, s7, $0x10   }
0x67: {  	s9 =	simm.s32 @!p0 $0x1C03;
	s23 =	rddreg [dreg:$0x10]  }
0x68: {  	[spmem:s11], [sflag:s9] =	dma.local @!p0 [hbm:s23], $0xF800  }
0x69: {  	_ =	swait.ge @!p0 [sflag:s6], $0xF800  }
0x6a: {  	[sflag:s6] =	ssyncset.done @!p0 $0x0  }
0x6b: {  	[sflag:s6] =	ssyncadd.s32 @!p0 $0xFFFF0800  }
0x6c: {  	_ =	swait.ge [sflag:s2], $0x8000  }
0x6d: {  	[sflag:s2] =	ssyncset.done $0x0  }
0x6e: {  	[sflag:s2] =	ssyncadd.s32 $0xFFFF8000  }
0x6f: {  	[bflag:$0x0] =	sbarrier.arrive $0xFFFF  }
0x70: {  	s1 =	rddreg [dreg:$0x11]  }
0x71: {  	s9 =	sshrl.u32 s26, $0x3;
	[smem:$0x7FA] =	sst s26  }
0x72: {  	[smem:$0x7FB] =	sst s9  }
0x73: {  	[hbm:s1@s4], [sflag:s30] =	dma.strided [spmem:s9@s5], $0x8000, s3, $0x10   }
0x74: {  	_ =	swait.ge @p0 [sflag:s15], $0x8000  }
0x75: {  	[sflag:s15] =	ssyncset.done @p0 $0x0  }
0x76: {  	[sflag:s15] =	ssyncadd.s32 @p0 $0xFFFF8000  }
0x77: {  	[bflag:$0x0] =	sbarrier.arrive @p0 $0xFFFF  }
0x78: {  	s24 =	rddreg [dreg:$0x12]  }
0x79: {  	[dreg:$0x1d] =	wrdreg s17  }
0x7a: {  	[hbm:s24@s0], [sflag:s30] =	dma.strided @p0 [spmem:s17@s29], $0x8000, s13, $0x10   }
0x7b: {  	s1 =	simm.s32 @!p0 $0x1C04;
	s24 =	rddreg [dreg:$0x13]  }
0x7c: {  	[spmem:s8], [sflag:s1] =	dma.local @!p0 [hbm:s24], $0xF800  }
0x7d: {  	_ =	swait.ge @!p0 [sflag:s12], $0xF800  }
0x7e: {  	[sflag:s12] =	ssyncset.done @!p0 $0x0  }
0x7f: {  	[sflag:s12] =	ssyncadd.s32 @!p0 $0xFFFF0800  }
0x80: {  	_ =	swait.ge @!p0 [sflag:s21], $0x8000  }
0x81: {  	[sflag:s21] =	ssyncset.done @!p0 $0x0  }
0x82: {  	[sflag:s21] =	ssyncadd.s32 @!p0 $0xFFFF8000  }
0x83: {  	[bflag:$0x0] =	sbarrier.arrive @!p0 $0xFFFF  }
0x84: {  	s24 =	rddreg [dreg:$0x14]  }
0x85: {  	[smem:$0x7FC] =	sst s25  }
0x86: {  	[hbm:s24@s16], [sflag:s30] =	dma.strided @!p0 [spmem:s25@s22], $0x8000, s7, $0x10   }
0x87: {  	_ =	swait.ge @!p0 [sflag:s20], $0xF800  }
0x88: {  	[sflag:s20] =	ssyncset.done @!p0 $0x0  }
0x89: {  	[sflag:s20] =	ssyncadd.s32 @!p0 $0xFFFF0800  }
0x8a: {  	_ =	swait.ge [sflag:s2], $0x8000  }
0x8b: {  	[sflag:s2] =	ssyncset.done $0x0  }
0x8c: {  	[sflag:s2] =	ssyncadd.s32 $0xFFFF8000  }
0x8d: {  	[bflag:$0x0] =	sbarrier.arrive $0xFFFF  }
0x8e: {  	s25 =	sld [smem:$0x7FD];
	_ =	sdelay $0x2  }
0x8f: {  	s23 =	rddreg [dreg:$0x15];
	s24 =	sshrl.u32 s25, $0x3;
	s25 =	sadd.s32 $0xFFFFFFFF, s31  }
0x90: {  	[hbm:s23@s4], [sflag:s30] =	dma.strided [spmem:s24@s5], $0x8000, s3, $0x10   }
0x91: {  	p2 =	sne.s32 s25, $0x0  }
.Ltmp1:
0x92: {  	_ =	swait.ge [sflag:s2], $0x8000;
	(pc) =	sbr.rel @!p2 .LBB2_3-.Ltmp1, $4  }
0x93: {  	[sflag:s2] =	ssyncset.done $0x0  }
0x94: {  	[sflag:s2] =	ssyncadd.s32 $0xFFFF8000  }
0x95: {  	_ =	swait.ge [sflag:s2], $0x8000  }
0x96: {  	p1 =	por $0x1, $0x1;
	s26 =	rddreg [dreg:$0x7];
	[sflag:s2] =	ssyncset.done $0x0  }
.LBB2_4:
0x97: {  	[sflag:s2] =	ssyncadd.s32 $0xFFFF8000;
	s17 =	simm.s32 @!p0 $0x1C01  }
0x98: {  	[spmem:s18], [sflag:s17] =	dma.local @!p0 [hbm:s26], $0xF800  }
0x99: {  	s31 =	simm.s32 @!p0 $0x1C02;
	s26 =	rddreg [dreg:$0x8]  }
0x9a: {  	[spmem:s14], [sflag:s31] =	dma.local @!p0 [hbm:s26], $0xF800  }
0x9b: {  	_ =	swait.ge @!p0 [sflag:s28], $0xF800  }
0x9c: {  	[sflag:s28] =	ssyncset.done @!p0 $0x0  }
0x9d: {  	[sflag:s28] =	ssyncadd.s32 @!p0 $0xFFFF0800  }
0x9e: {  	[bflag:$0x0] =	sbarrier.arrive $0xFFFF  }
0x9f: {  	s1 =	rddreg [dreg:$0x1b]  }
0xa0: {  	s9 =	rddreg [dreg:$0x1c]  }
0xa1: {  	[hbm:s9@s4], [sflag:s30] =	dma.strided [spmem:s1@s5], $0x8000, s3, $0x10   }
0xa2: {  	[bflag:$0x0] =	sbarrier.arrive @p0 $0xFFFF  }
0xa3: {  	s26 =	rddreg [dreg:$0x1a]  }
0xa4: {  	[hbm:s19@s0], [sflag:s30] =	dma.strided @p0 [spmem:s26@s29], $0x8000, s13, $0x10   }
0xa5: {  	s9 =	simm.s32 @!p0 $0x1C03;
	s26 =	rddreg [dreg:$0x9]  }
0xa6: {  	[spmem:s11], [sflag:s9] =	dma.local @!p0 [hbm:s26], $0xF800  }
0xa7: {  	_ =	swait.ge @!p0 [sflag:s6], $0xF800  }
0xa8: {  	[sflag:s6] =	ssyncset.done @!p0 $0x0  }
0xa9: {  	[sflag:s6] =	ssyncadd.s32 @!p0 $0xFFFF0800  }
0xaa: {  	[bflag:$0x0] =	sbarrier.arrive @!p0 $0xFFFF  }
0xab: {  	s1 =	rddreg [dreg:$0x1e]  }
0xac: {  	[hbm:s19@s16], [sflag:s30] =	dma.strided @!p0 [spmem:s1@s22], $0x8000, s7, $0x10   }
0xad: {  	s1 =	simm.s32 @!p0 $0x1C04;
	s26 =	rddreg [dreg:$0xa]  }
0xae: {  	[spmem:s8], [sflag:s1] =	dma.local @!p0 [hbm:s26], $0xF800  }
0xaf: {  	_ =	swait.ge @!p0 [sflag:s12], $0xF800  }
0xb0: {  	[sflag:s12] =	ssyncset.done @!p0 $0x0  }
0xb1: {  	[sflag:s12] =	ssyncadd.s32 @!p0 $0xFFFF0800  }
0xb2: {  	_ =	swait.ge [sflag:s2], $0x8000  }
0xb3: {  	[sflag:s2] =	ssyncset.done $0x0  }
0xb4: {  	[sflag:s2] =	ssyncadd.s32 $0xFFFF8000  }
0xb5: {  	[bflag:$0x0] =	sbarrier.arrive $0xFFFF  }
0xb6: {  	s26 =	rddreg [dreg:$0xb]  }
0xb7: {  	s23 =	rddreg [dreg:$0x1f]  }
0xb8: {  	[hbm:s26@s4], [sflag:s30] =	dma.strided [spmem:s23@s5], $0x8000, s3, $0x10   }
0xb9: {  	_ =	swait.ge @p0 [sflag:s15], $0x8000  }
0xba: {  	[sflag:s15] =	ssyncset.done @p0 $0x0  }
0xbb: {  	[sflag:s15] =	ssyncadd.s32 @p0 $0xFFFF8000  }
0xbc: {  	[bflag:$0x0] =	sbarrier.arrive @p0 $0xFFFF  }
0xbd: {  	s26 =	rddreg [dreg:$0x19]  }
0xbe: {  	[hbm:s10@s0], [sflag:s30] =	dma.strided @p0 [spmem:s26@s29], $0x8000, s13, $0x10   }
0xbf: {  	_ =	swait.ge @p0 [sflag:s15], $0x8000  }
0xc0: {  	[sflag:s15] =	ssyncset.done @p0 $0x0  }
0xc1: {  	[sflag:s15] =	ssyncadd.s32 @p0 $0xFFFF8000  }
0xc2: {  	[bflag:$0x0] =	sbarrier.arrive @p0 $0xFFFF  }
0xc3: {  	s26 =	rddreg [dreg:$0xd]  }
0xc4: {  	s23 =	rddreg [dreg:$0x18]  }
0xc5: {  	[hbm:s26@s0], [sflag:s30] =	dma.strided @p0 [spmem:s23@s29], $0x8000, s13, $0x10   }
0xc6: {  	s26 =	rddreg [dreg:$0xc]  }
0xc7: {  	[spmem:s18], [sflag:s17] =	dma.local @!p0 [hbm:s26], $0xF800  }
0xc8: {  	_ =	swait.ge @!p0 [sflag:s20], $0xF800  }
0xc9: {  	[sflag:s20] =	ssyncset.done @!p0 $0x0  }
0xca: {  	[sflag:s20] =	ssyncadd.s32 @!p0 $0xFFFF0800  }
0xcb: {  	_ =	swait.ge @!p0 [sflag:s21], $0x8000  }
0xcc: {  	[sflag:s21] =	ssyncset.done @!p0 $0x0  }
0xcd: {  	[sflag:s21] =	ssyncadd.s32 @!p0 $0xFFFF8000  }
0xce: {  	[bflag:$0x0] =	sbarrier.arrive @!p0 $0xFFFF  }
0xcf: {  	s17 =	rddreg [dreg:$0x17]  }
0xd0: {  	[hbm:s10@s16], [sflag:s30] =	dma.strided @!p0 [spmem:s17@s22], $0x8000, s7, $0x10   }
0xd1: {  	s26 =	rddreg [dreg:$0xe]  }
0xd2: {  	[spmem:s14], [sflag:s31] =	dma.local @!p0 [hbm:s26], $0xF800  }
0xd3: {  	_ =	swait.ge @!p0 [sflag:s28], $0xF800  }
0xd4: {  	[sflag:s28] =	ssyncset.done @!p0 $0x0  }
0xd5: {  	[sflag:s28] =	ssyncadd.s32 @!p0 $0xFFFF0800  }
0xd6: {  	_ =	swait.ge @!p0 [sflag:s21], $0x8000  }
0xd7: {  	[sflag:s21] =	ssyncset.done @!p0 $0x0  }
0xd8: {  	[sflag:s21] =	ssyncadd.s32 @!p0 $0xFFFF8000  }
0xd9: {  	[bflag:$0x0] =	sbarrier.arrive @!p0 $0xFFFF  }
0xda: {  	s26 =	rddreg [dreg:$0xf]  }
0xdb: {  	s17 =	rddreg [dreg:$0x16]  }
0xdc: {  	[hbm:s26@s16], [sflag:s30] =	dma.strided @!p0 [spmem:s17@s22], $0x8000, s7, $0x10   }
0xdd: {  	s26 =	rddreg [dreg:$0x10]  }
0xde: {  	[spmem:s11], [sflag:s9] =	dma.local @!p0 [hbm:s26], $0xF800  }
0xdf: {  	_ =	swait.ge @!p0 [sflag:s6], $0xF800  }
0xe0: {  	[sflag:s6] =	ssyncset.done @!p0 $0x0  }
0xe1: {  	[sflag:s6] =	ssyncadd.s32 @!p0 $0xFFFF0800  }
0xe2: {  	_ =	swait.ge [sflag:s2], $0x8000  }
0xe3: {  	[sflag:s2] =	ssyncset.done $0x0  }
0xe4: {  	[sflag:s2] =	ssyncadd.s32 $0xFFFF8000  }
0xe5: {  	[bflag:$0x0] =	sbarrier.arrive $0xFFFF  }
0xe6: {  	s23 =	sld [smem:$0x7FB];
	_ =	sdelay $0x1  }
0xe7: {  	s17 =	rddreg [dreg:$0x11]  }
0xe8: {  	[hbm:s17@s4], [sflag:s30] =	dma.strided [spmem:s23@s5], $0x8000, s3, $0x10   }
0xe9: {  	_ =	swait.ge @p0 [sflag:s15], $0x8000  }
0xea: {  	[sflag:s15] =	ssyncset.done @p0 $0x0  }
0xeb: {  	[sflag:s15] =	ssyncadd.s32 @p0 $0xFFFF8000  }
0xec: {  	[bflag:$0x0] =	sbarrier.arrive @p0 $0xFFFF  }
0xed: {  	s26 =	rddreg [dreg:$0x12]  }
0xee: {  	s9 =	rddreg [dreg:$0x1d]  }
0xef: {  	[hbm:s26@s0], [sflag:s30] =	dma.strided @p0 [spmem:s9@s29], $0x8000, s13, $0x10   }
0xf0: {  	s26 =	rddreg [dreg:$0x13]  }
0xf1: {  	[spmem:s8], [sflag:s1] =	dma.local @!p0 [hbm:s26], $0xF800  }
0xf2: {  	_ =	swait.ge @!p0 [sflag:s12], $0xF800  }
0xf3: {  	[sflag:s12] =	ssyncset.done @!p0 $0x0  }
0xf4: {  	[sflag:s12] =	ssyncadd.s32 @!p0 $0xFFFF0800  }
0xf5: {  	_ =	swait.ge @!p0 [sflag:s21], $0x8000  }
0xf6: {  	[sflag:s21] =	ssyncset.done @!p0 $0x0  }
0xf7: {  	[sflag:s21] =	ssyncadd.s32 @!p0 $0xFFFF8000  }
0xf8: {  	[bflag:$0x0] =	sbarrier.arrive @!p0 $0xFFFF  }
0xf9: {  	s1 =	sld [smem:$0x7FC];
	_ =	sdelay $0x1  }
0xfa: {  	s26 =	rddreg [dreg:$0x14]  }
0xfb: {  	[hbm:s26@s16], [sflag:s30] =	dma.strided @!p0 [spmem:s1@s22], $0x8000, s7, $0x10   }
0xfc: {  	_ =	swait.ge @!p0 [sflag:s20], $0xF800  }
0xfd: {  	[sflag:s20] =	ssyncset.done @!p0 $0x0  }
0xfe: {  	[sflag:s20] =	ssyncadd.s32 @!p0 $0xFFFF0800  }
0xff: {  	_ =	swait.ge [sflag:s2], $0x8000  }
0x100: {  	[sflag:s2] =	ssyncset.done $0x0  }
0x101: {  	[sflag:s2] =	ssyncadd.s32 $0xFFFF8000  }
0x102: {  	s25 =	sadd.s32 $0xFFFFFFFF, s25;
	[bflag:$0x0] =	sbarrier.arrive $0xFFFF  }
0x103: {  	p2 =	sne.s32 s25, $0x0;
	s31 =	rddreg [dreg:$0x15]  }
0x104: {  	[hbm:s31@s4], [sflag:s30] =	dma.strided [spmem:s24@s5], $0x8000, s3, $0x10   }
.Ltmp2:
0x105: {  	_ =	swait.ge [sflag:s2], $0x8000;
	(pc) =	sbr.rel @p2 .LBB2_4-.Ltmp2, $4  }
0x106: {  	[sflag:s2] =	ssyncset.done $0x0  }
0x107: {  	[sflag:s2] =	ssyncadd.s32 $0xFFFF8000  }
0x108: {  	_ =	swait.ge [sflag:s2], $0x8000  }
0x109: {  	s26 =	rddreg [dreg:$0x7];
	[sflag:s2] =	ssyncset.done $0x0  }
0x10a: {  	s20 =	rddreg [dreg:$0x1e]  }
0x10b: {  	s17 =	rddreg [dreg:$0x19]  }
0x10c: {  	s29 =	sld [smem:$0x7FD]  }
0x10d: {  	s25 =	sld [smem:$0x7FA]  }
0x10e: {  	s30 =	sld [smem:$0x7FC]  }
0x10f: {  	s21 =	rddreg [dreg:$0x1d]  }
0x110: {  	s31 =	rddreg [dreg:$0x1c]  }
0x111: {  	s24 =	sld [smem:$0x7F9]  }
0x112: {  	s16 =	sld [smem:$0x7F8]  }
0x113: {  	s13 =	stileid.u32;
	s7 =	rddreg [dreg:$0x1a]  }
.LBB2_6:
0x114: {  	[sflag:s2] =	ssyncadd.s32 @p1 $0xFFFF8000;
	s28 =	simm.s32 @!p0 $0x1C01  }
0x115: {  	[spmem:s18], [sflag:s28] =	dma.local @!p0 [hbm:s26], $0xF800  }
0x116: {  	s15 =	simm.s32 @!p0 $0x1;
	s26 =	simm.s32 @!p0 $0x1C02;
	s0 =	rddreg [dreg:$0x8]  }
0x117: {  	[spmem:s14], [sflag:s26] =	dma.local @!p0 [hbm:s0], $0xF800  }
0x118: {  	_ =	swait.ge @!p0 [sflag:s15], $0xF800  }
0x119: {  	[sflag:s15] =	ssyncset.done @!p0 $0x0  }
0x11a: {  	s23 =	sshll.u32 s13, $0x6;
	s6 =	simm.s32 @p0 $0x800;
	[sflag:s15] =	ssyncadd.s32 @!p0 $0xFFFF0800  }
0x11b: {  	s1 =	sshrl.u32 s16, $0x3;
	s0 =	sor.u32 $0x1C05, s23;
	[bflag:$0x0] =	sbarrier.arrive $0xFFFF  }
0x11c: {  	[hbm:s31@s4], [sflag:s0] =	dma.strided [spmem:s1@s5], $0x8000, s3, $0x10   }
0x11d: {  	s9 =	simm.s32 @p0 $0x80;
	s1 =	simm.s32 @p0 $0xF80;
	[bflag:$0x0] =	sbarrier.arrive @p0 $0xFFFF  }
0x11e: {  	[hbm:s19@s6], [sflag:s0] =	dma.strided @p0 [spmem:s7@s1], $0x8000, s9, $0x10   }
0x11f: {  	s22 =	simm.s32 @!p0 $0x2;
	s31 =	simm.s32 @!p0 $0x1C03;
	s7 =	rddreg [dreg:$0x9]  }
0x120: {  	[spmem:s11], [sflag:s31] =	dma.local @!p0 [hbm:s7], $0xF800  }
0x121: {  	_ =	swait.ge @!p0 [sflag:s22], $0xF800  }
0x122: {  	[sflag:s22] =	ssyncset.done @!p0 $0x0  }
0x123: {  	s12 =	simm.s32 @!p0 $0xF80;
	[sflag:s22] =	ssyncadd.s32 @!p0 $0xFFFF0800  }
0x124: {  	s13 =	simm.s32 @!p0 $0x80;
	s7 =	simm.s32 @!p0 $0x800;
	[bflag:$0x0] =	sbarrier.arrive @!p0 $0xFFFF  }
0x125: {  	[hbm:s19@s7], [sflag:s0] =	dma.strided @!p0 [spmem:s20@s12], $0x8000, s13, $0x10   }
0x126: {  	s19 =	simm.s32 @!p0 $0x1C04;
	s16 =	rddreg [dreg:$0xa]  }
0x127: {  	[spmem:s8], [sflag:s19] =	dma.local @!p0 [hbm:s16], $0xF800  }
0x128: {  	s16 =	simm.s32 @!p0 $0x3  }
0x129: {  	_ =	swait.ge @!p0 [sflag:s16], $0xF800  }
0x12a: {  	[sflag:s16] =	ssyncset.done @!p0 $0x0  }
0x12b: {  	[sflag:s16] =	ssyncadd.s32 @!p0 $0xFFFF0800  }
0x12c: {  	_ =	swait.ge [sflag:s2], $0x8000  }
0x12d: {  	[sflag:s2] =	ssyncset.done $0x0  }
0x12e: {  	[sflag:s2] =	ssyncadd.s32 $0xFFFF8000  }
0x12f: {  	[bflag:$0x0] =	sbarrier.arrive $0xFFFF  }
0x130: {  	s24 =	sshrl.u32 s24, $0x3;
	s23 =	rddreg [dreg:$0xb]  }
0x131: {  	[hbm:s23@s4], [sflag:s0] =	dma.strided [spmem:s24@s5], $0x8000, s3, $0x10   }
0x132: {  	s23 =	simm.s32 @p0 $0x5  }
0x133: {  	_ =	swait.ge @p0 [sflag:s23], $0x8000  }
0x134: {  	[sflag:s23] =	ssyncset.done @p0 $0x0  }
0x135: {  	[sflag:s23] =	ssyncadd.s32 @p0 $0xFFFF8000  }
0x136: {  	[bflag:$0x0] =	sbarrier.arrive @p0 $0xFFFF  }
0x137: {  	[hbm:s10@s6], [sflag:s0] =	dma.strided @p0 [spmem:s17@s1], $0x8000, s9, $0x10   }
0x138: {  	_ =	swait.ge @p0 [sflag:s23], $0x8000  }
0x139: {  	[sflag:s23] =	ssyncset.done @p0 $0x0  }
0x13a: {  	[sflag:s23] =	ssyncadd.s32 @p0 $0xFFFF8000  }
0x13b: {  	[bflag:$0x0] =	sbarrier.arrive @p0 $0xFFFF  }
0x13c: {  	s24 =	rddreg [dreg:$0xd]  }
0x13d: {  	s17 =	rddreg [dreg:$0x18]  }
0x13e: {  	[hbm:s24@s6], [sflag:s0] =	dma.strided @p0 [spmem:s17@s1], $0x8000, s9, $0x10   }
0x13f: {  	s24 =	rddreg [dreg:$0xc]  }
0x140: {  	[spmem:s18], [sflag:s28] =	dma.local @!p0 [hbm:s24], $0xF800  }
0x141: {  	s18 =	simm.s32 @!p0 $0x4  }
0x142: {  	_ =	swait.ge @!p0 [sflag:s18], $0xF800  }
0x143: {  	[sflag:s18] =	ssyncset.done @!p0 $0x0  }
0x144: {  	s20 =	simm.s32 @!p0 $0x5;
	[sflag:s18] =	ssyncadd.s32 @!p0 $0xFFFF0800  }
0x145: {  	_ =	swait.ge @!p0 [sflag:s20], $0x8000  }
0x146: {  	[sflag:s20] =	ssyncset.done @!p0 $0x0  }
0x147: {  	[sflag:s20] =	ssyncadd.s32 @!p0 $0xFFFF8000  }
0x148: {  	[bflag:$0x0] =	sbarrier.arrive @!p0 $0xFFFF  }
0x149: {  	s17 =	rddreg [dreg:$0x17]  }
0x14a: {  	[hbm:s10@s7], [sflag:s0] =	dma.strided @!p0 [spmem:s17@s12], $0x8000, s13, $0x10   }
0x14b: {  	s10 =	rddreg [dreg:$0xe]  }
0x14c: {  	[spmem:s14], [sflag:s26] =	dma.local @!p0 [hbm:s10], $0xF800  }
0x14d: {  	_ =	swait.ge @!p0 [sflag:s15], $0xF800  }
0x14e: {  	[sflag:s15] =	ssyncset.done @!p0 $0x0  }
0x14f: {  	[sflag:s15] =	ssyncadd.s32 @!p0 $0xFFFF0800  }
0x150: {  	_ =	swait.ge @!p0 [sflag:s20], $0x8000  }
0x151: {  	[sflag:s20] =	ssyncset.done @!p0 $0x0  }
0x152: {  	[sflag:s20] =	ssyncadd.s32 @!p0 $0xFFFF8000  }
0x153: {  	[bflag:$0x0] =	sbarrier.arrive @!p0 $0xFFFF  }
0x154: {  	s10 =	rddreg [dreg:$0xf]  }
0x155: {  	s14 =	rddreg [dreg:$0x16]  }
0x156: {  	[hbm:s10@s7], [sflag:s0] =	dma.strided @!p0 [spmem:s14@s12], $0x8000, s13, $0x10   }
0x157: {  	s10 =	rddreg [dreg:$0x10]  }
0x158: {  	[spmem:s11], [sflag:s31] =	dma.local @!p0 [hbm:s10], $0xF800  }
0x159: {  	_ =	swait.ge @!p0 [sflag:s22], $0xF800  }
0x15a: {  	[sflag:s22] =	ssyncset.done @!p0 $0x0  }
0x15b: {  	[sflag:s22] =	ssyncadd.s32 @!p0 $0xFFFF0800  }
0x15c: {  	_ =	swait.ge [sflag:s2], $0x8000  }
0x15d: {  	[sflag:s2] =	ssyncset.done $0x0  }
0x15e: {  	[sflag:s2] =	ssyncadd.s32 $0xFFFF8000  }
0x15f: {  	[bflag:$0x0] =	sbarrier.arrive $0xFFFF  }
0x160: {  	s28 =	sshrl.u32 s25, $0x3;
	s26 =	rddreg [dreg:$0x11]  }
0x161: {  	[hbm:s26@s4], [sflag:s0] =	dma.strided [spmem:s28@s5], $0x8000, s3, $0x10   }
0x162: {  	_ =	swait.ge @p0 [sflag:s23], $0x8000  }
0x163: {  	[sflag:s23] =	ssyncset.done @p0 $0x0  }
0x164: {  	[sflag:s23] =	ssyncadd.s32 @p0 $0xFFFF8000  }
0x165: {  	[bflag:$0x0] =	sbarrier.arrive @p0 $0xFFFF  }
0x166: {  	s10 =	rddreg [dreg:$0x12]  }
0x167: {  	[hbm:s10@s6], [sflag:s0] =	dma.strided @p0 [spmem:s21@s1], $0x8000, s9, $0x10   }
0x168: {  	s1 =	rddreg [dreg:$0x13]  }
0x169: {  	[spmem:s8], [sflag:s19] =	dma.local @!p0 [hbm:s1], $0xF800  }
0x16a: {  	_ =	swait.ge @!p0 [sflag:s16], $0xF800  }
0x16b: {  	[sflag:s16] =	ssyncset.done @!p0 $0x0  }
0x16c: {  	[sflag:s16] =	ssyncadd.s32 @!p0 $0xFFFF0800  }
0x16d: {  	_ =	swait.ge @!p0 [sflag:s20], $0x8000  }
0x16e: {  	[sflag:s20] =	ssyncset.done @!p0 $0x0  }
0x16f: {  	[sflag:s20] =	ssyncadd.s32 @!p0 $0xFFFF8000  }
0x170: {  	[bflag:$0x0] =	sbarrier.arrive @!p0 $0xFFFF  }
0x171: {  	s1 =	rddreg [dreg:$0x14]  }
0x172: {  	[hbm:s1@s7], [sflag:s0] =	dma.strided @!p0 [spmem:s30@s12], $0x8000, s13, $0x10   }
0x173: {  	_ =	swait.ge @!p0 [sflag:s18], $0xF800  }
0x174: {  	[sflag:s18] =	ssyncset.done @!p0 $0x0  }
0x175: {  	[sflag:s18] =	ssyncadd.s32 @!p0 $0xFFFF0800  }
0x176: {  	_ =	swait.ge [sflag:s2], $0x8000  }
0x177: {  	[sflag:s2] =	ssyncset.done $0x0  }
0x178: {  	[sflag:s2] =	ssyncadd.s32 $0xFFFF8000  }
0x179: {  	[bflag:$0x0] =	sbarrier.arrive $0xFFFF  }
0x17a: {  	s31 =	sshrl.u32 s29, $0x3;
	s30 =	rddreg [dreg:$0x15]  }
0x17b: {  	[hbm:s30@s4], [sflag:s0] =	dma.strided [spmem:s31@s5], $0x8000, s3, $0x10   }
0x17c: {  	_ =	swait.ge [sflag:s2], $0x8000  }
0x17d: {  	[sflag:s2] =	ssyncset.done $0x0  }
0x17e: {  	[sflag:s2] =	ssyncadd.s32 $0xFFFF8000  }
0x17f: {  	_ =	swait.ge [sflag:s2], $0x8000  }
0x180: {  	[sflag:s2] =	ssyncset.done $0x0  }
0x181: {  	[sflag:s2] =	ssyncadd.s32 $0xFFFF8000  }
0x182: {  	_ =	sfence.sel $0x180000  }
0x183: {  	[bflag:$0x0] =	sbarrier.arrive $0xFFFF  }
0x184: {  	_ =	strace $0x90000047  }
0x185: {  	[bflag:$0x2] =	sbarrier.arrive $0xFFFF  }
0x186: {  	s0 =	rddreg [dreg:$0x6]  }
0x187: {  	s0 =	sadd.s32 @!p0 $0x100000, s0  }
0x188: {  	[sflag:s0] =	ssyncadd.tile.s32 @!p0 $0x1;
	_ =	shalt  }
.LBB2_1:
.Ltmp3:
0x189: {  	(pc) =	sbr.rel .LBB2_6-.Ltmp3, $2  }
0x18a: {  	_ =	sdelay $0x2  }
0x18b: {  	s17 =	rddreg [dreg:$0x19]  }
.LBB2_3:
0x18c: {  	s20 =	rddreg [dreg:$0x1e]  }
0x18d: {  	s17 =	rddreg [dreg:$0x19]  }
0x18e: {  	s29 =	sld [smem:$0x7FD]  }
0x18f: {  	s25 =	sld [smem:$0x7FA]  }
0x190: {  	s30 =	sld [smem:$0x7FC]  }
.Ltmp4:
0x191: {  	s21 =	rddreg [dreg:$0x1d];
	(pc) =	sbr.rel .LBB2_6-.Ltmp4, $4  }
0x192: {  	s31 =	rddreg [dreg:$0x1c]  }
0x193: {  	s24 =	sld [smem:$0x7F9]  }
0x194: {  	s16 =	sld [smem:$0x7F8]  }
0x195: {  	s13 =	stileid.u32;
	s7 =	rddreg [dreg:$0x1a]  }
.Lfunc_end2:
_tile_overlayer_lowered:
.L_overlay_start_2:
0x196: {  	(tag) =	ssettag $0x2  }
0x197: {  	s0 =	rddreg [dreg:$0x0];
	s2 =	stileid.u32  }
0x198: {  	s1 =	rddreg [dreg:$0x1];
	p0 =	sne.s32 s2, $0x0  }
0x199: {  	s3 =	rddreg [dreg:$0x2];
	[bflag:$0x3] =	sbarrier.arrive $0xFFFF;
	s2 =	simm.s32 @!p0 $0x1C06  }
0x19a: {  	[timem:s3], [sflag:s2] =	dma.local @!p0 [hbm:s0], s1  }
0x19b: {  	s0 =	simm.s32 @!p0 $0x6  }
0x19c: {  	_ =	swait.ge @!p0 [sflag:s0], s1  }
0x19d: {  	s1 =	ssub.s32 @!p0 $0x0, s1;
	[sflag:s0] =	ssyncset.done @!p0 $0x0  }
0x19e: {  	[sflag:s0] =	ssyncadd.s32 @!p0 s1  }
0x19f: {  	[bflag:$0x3] =	sbarrier.arrive $0xFFFF  }
0x1a0: {  	_ =	shalt  }

</sc_bundles>
